<compile_context>
chip_gen: v7x
topology: tpu7x:2x2x1
jax: 0.10.2.dev20260603
libtpu: 0.0.44.dev20260713+nightly
codegen_flags: <defaults>
</compile_context>

<pallas_src>
import functools

import jax
import jax.numpy as jnp
from jax import lax
from jax.experimental import pallas as pl
from jax.experimental.pallas import tpu as pltpu
from jax.experimental.pallas import tpu_sc as plsc

_ROAD = 3.25
_B, _H, _W, _I = 8, 384, 384, 24
_IB = 8
_NROWS = _B * _H
_RPT = _NROWS // 32
_G = _RPT // 16


def _sc_row_minmax():
    mesh = plsc.VectorSubcoreMesh(core_axis_name="c", subcore_axis_name="s")

    @functools.partial(
        pl.kernel, mesh=mesh,
        compiler_params=pltpu.CompilerParams(needs_layout_passes=False),
        out_type=jax.ShapeDtypeStruct((_NROWS * 16,), jnp.float32),
        scratch_types=[
            pltpu.VMEM((_RPT * 3 * _W,), jnp.float32),
            pltpu.VMEM((_RPT * 16,), jnp.float32),
        ],
    )
    def k(seg_hbm, out_hbm, rows_v, res_v):
        wid = lax.axis_index("s") * 2 + lax.axis_index("c")
        base = wid * _RPT
        pltpu.sync_copy(seg_hbm.at[pl.ds(base * 3 * _W, _RPT * 3 * _W)], rows_v)
        lane = lax.iota(jnp.int32, 16)
        lanef = lane.astype(jnp.float32)
        for g in range(_G):
            rows_idx = g * 16 + lane
            row_off = rows_idx * (3 * _W)

            def body(w, carry):
                rmin, rmax = carry
                flat_idx = row_off + (3 * w + 1)
                vals = plsc.load_gather(rows_v, [flat_idx])
                m = vals > 0.0
                wf = lanef * 0.0 + w.astype(jnp.float32)
                rmin = jnp.minimum(rmin, jnp.where(m, wf, jnp.float32(_W)))
                rmax = jnp.maximum(rmax, jnp.where(m, wf, jnp.float32(-1.0)))
                return rmin, rmax

            rmin0 = lanef * 0.0 + jnp.float32(_W)
            rmax0 = lanef * 0.0 + jnp.float32(-1.0)
            rmin, rmax = lax.fori_loop(0, _W, body, (rmin0, rmax0))
            has = rmax > -0.5
            xmin = jnp.where(has, rmin, 0.0)
            xmax = jnp.where(has, rmax, 0.0)
            plsc.store_scatter(res_v, [rows_idx * 16], xmin)
            plsc.store_scatter(res_v, [rows_idx * 16 + 1], xmax)
        pltpu.sync_copy(res_v, out_hbm.at[pl.ds(base * 16, _RPT * 16)])

    return k


def _bf(v):
    return v.astype(jnp.bfloat16).astype(jnp.float32)


def _tc_kernel(mm_ref, pad_ref, out_ref, ul_scr, us_scr, ulrow_scr):
    i = pl.program_id(1)

    @pl.when(i == 0)
    def _fit():
        xmin = mm_ref[0][:, 0:1]
        xmax = mm_ref[0][:, 1:2]
        valid = (xmin != xmax).astype(jnp.float32)
        vc = jnp.sum(valid)
        tri = (jax.lax.broadcasted_iota(jnp.int32, (_H, _H), 1)
               <= jax.lax.broadcasted_iota(jnp.int32, (_H, _H), 0)).astype(jnp.float32)
        rank = jax.lax.dot(tri, valid, preferred_element_type=jnp.float32) - 1.0
        dc = jnp.maximum(jnp.floor(vc * jnp.float32(0.15)), 1.0)
        keep = valid * (rank >= dc).astype(jnp.float32) * (rank < vc - dc).astype(jnp.float32)

        y = jax.lax.broadcasted_iota(jnp.int32, (_H, 1), 0).astype(jnp.float32)
        l0 = _bf(keep * y)
        r0 = _bf(y)
        a00 = jnp.sum(l0 * r0)
        a01 = jnp.sum(l0)
        a10 = jnp.sum(keep * r0)
        a11 = jnp.sum(keep)
        det = a00 * a11 - a01 * a10
        good = det > 0.0
        sd = jnp.where(good, det, 1.0)
        i00 = a11 / sd
        i01 = -a10 / sd
        i10 = -a01 / sd
        i11 = a00 / sd

        def _theta(x):
            xb = _bf(x)
            b0 = jnp.sum(l0 * xb)
            b1 = jnp.sum(keep * xb)
            t0 = _bf(i00) * _bf(b0) + _bf(i01) * _bf(b1)
            t1 = _bf(i10) * _bf(b0) + _bf(i11) * _bf(b1)
            return jnp.where(good, t0, 0.0), jnp.where(good, t1, 0.0)

        t0l, t1l = _theta(xmin)
        t0r, t1r = _theta(xmax)
        pred_l = y * t0l + t1l
        pred_r = y * t0r + t1r
        width = jnp.maximum(pred_r - pred_l, 1.0)
        ul = jnp.float32(_ROAD) / width
        ul_scr[...] = jnp.broadcast_to(ul, (_H, 128))
        us_scr[...] = jnp.broadcast_to(ul * ul, (_H, 128))
        eye = (jax.lax.broadcasted_iota(jnp.int32, (_H, _H), 0)
               == jax.lax.broadcasted_iota(jnp.int32, (_H, _H), 1)).astype(jnp.float32)
        ulr = jax.lax.dot_general(ul, eye, (((0,), (0,)), ((), ())),
                                  preferred_element_type=jnp.float32)
        ulrow_scr[...] = jnp.broadcast_to(ulr, (8, _H))

    ul = ul_scr[:, 0:1]
    us = us_scr[:, 0:1]
    ones_bf = jnp.ones((_W, 1), jnp.bfloat16)
    lane = jax.lax.broadcasted_iota(jnp.int32, (1, 128), 1)

    p2 = pad_ref[0].reshape(_IB * _H, _W)
    p2_bf = p2.astype(jnp.bfloat16)
    r_all = jax.lax.dot_general(p2_bf, ones_bf, (((1,), (0,)), ((), ())),
                                preferred_element_type=jnp.float32)
    rm_all = jnp.max(p2, axis=1, keepdims=True)
    r3 = r_all.reshape(_IB, _H, 1)
    a3 = jnp.where(rm_all > 0.5, 1.0, 0.0).reshape(_IB, _H, 1)
    inst_v = jnp.sum(us[None] * r3, axis=1)
    vert_v = jnp.sum(ul[None] * a3, axis=1)
    ulrow_bf = ulrow_scr[0:1].astype(jnp.bfloat16)
    for j in range(_IB):
        t = jax.lax.dot_general(ulrow_bf, p2_bf[j * _H:(j + 1) * _H],
                                (((1,), (0,)), ((), ())),
                                preferred_element_type=jnp.float32)
        horiz = jnp.max(t)
        out_ref[0, j] = jnp.where(lane == 0, inst_v[j, 0],
                                  jnp.where(lane == 1, horiz, vert_v[j, 0]))


def kernel(seg_outs, pad_ins_outs):
    seg_flat = seg_outs.reshape(_NROWS * 3 * _W)
    minmax = _sc_row_minmax()(seg_flat)
    mm = minmax.reshape(_B, _H, 16)
    out = pl.pallas_call(
        _tc_kernel,
        grid=(_B, _I // _IB),
        in_specs=[
            pl.BlockSpec((1, _H, 16), lambda b, i: (b, 0, 0)),
            pl.BlockSpec((1, _IB, _H, _W), lambda b, i: (b, i, 0, 0)),
        ],
        out_specs=pl.BlockSpec((1, _IB, 1, 128), lambda b, i: (b, i, 0, 0)),
        out_shape=jax.ShapeDtypeStruct((_B, _I, 1, 128), jnp.float32),
        scratch_shapes=[
            pltpu.VMEM((_H, 128), jnp.float32),
            pltpu.VMEM((_H, 128), jnp.float32),
            pltpu.VMEM((8, _H), jnp.float32),
        ],
    )(mm, pad_ins_outs)
    return out[:, :, 0, :3]

# --- scband reference (transcript-rebuilt; emitter-appended) ---
"""Pipeline reference for scband-calculate-instance-size-36807869727201 (READ-ONLY COPY).

The authoritative reference and input builder live on the scoring server;
editing this copy changes nothing except your own understanding.
"""

import jax, jax.numpy as jnp
import numpy as np

DEFAULT_ROAD_SIZE = 3.25


def _calc_theta(pos, w):
    # pos: float32 [K, 2] rows of (y, x); w: float32 [K] row weights (0/1)
    xsm = jnp.stack([pos[:, 0], jnp.ones_like(pos[:, 0])], axis=1).astype(jnp.float32)
    ysm = pos[:, 1:2].astype(jnp.float32)
    wcol = w.astype(jnp.float32)[:, None]
    x_mat = (xsm * wcol).T @ xsm
    det = jnp.linalg.det(x_mat)
    theta = jnp.linalg.inv(x_mat) @ ((xsm * wcol).T @ ysm)
    return jnp.where(det > 0.0, theta, jnp.zeros((2, 1), jnp.float32))


def _road_size_per_image(image, default_road_size):
    # image: float32 [H, W]
    H, W = image.shape
    pos_mask = image > 0
    counts = jnp.sum(pos_mask.astype(jnp.int32), axis=1)
    x_idx = jnp.arange(W, dtype=jnp.int32)
    x_mins = jnp.min(jnp.where(pos_mask, x_idx[None, :], W), axis=1)
    x_maxs = jnp.max(jnp.where(pos_mask, x_idx[None, :], -1), axis=1)
    # tf.segment_min/max output 0 for empty segments; jax fills with +/- int max
    x_mins = jnp.where(counts > 0, x_mins, 0)
    x_maxs = jnp.where(counts > 0, x_maxs, 0)
    valid = x_mins != x_maxs
    y_pos = jnp.arange(H, dtype=jnp.int32)
    rank = jnp.cumsum(valid.astype(jnp.int32)) - 1
    valid_counts = jnp.sum(valid.astype(jnp.int32))
    drop_counts = jnp.maximum(
        (valid_counts.astype(jnp.float32) * 0.15).astype(jnp.int32),
        jnp.int32(1),
    )
    keep = valid & (rank >= drop_counts) & (rank < valid_counts - drop_counts)
    w = keep.astype(jnp.float32)
    left_marginal = jnp.stack([y_pos, x_mins], axis=-1).astype(jnp.float32)
    right_marginal = jnp.stack([y_pos, x_maxs], axis=-1).astype(jnp.float32)
    left_theta = _calc_theta(left_marginal, w)
    right_theta = _calc_theta(right_marginal, w)
    y_arange = jnp.arange(H, dtype=jnp.float32)
    pred_left = y_arange * left_theta[0] + left_theta[1]
    pred_right = y_arange * right_theta[0] + right_theta[1]
    width_by_vertical = jnp.clip(pred_right - pred_left, 1.0, np.inf).astype(jnp.float32)
    return jnp.float32(default_road_size) / width_by_vertical


def _unit_length_by_vertical(seg_outs, default_road_size):
    # emulates tf.map_fn over the batch on seg_outs[..., 1]
    B = seg_outs.shape[0]
    return jnp.stack(
        [_road_size_per_image(seg_outs[b, :, :, 1], default_road_size) for b in range(B)],
        axis=0,
    )


def setup_inputs(seed: int = 0) -> dict:
    key = jax.random.key(seed)
    k1, k2 = jax.random.split(key)
    seg_outs = jax.random.normal(k1, (8, 384, 384, 3), dtype=jnp.float32)
    pad_ins_outs = jax.random.normal(k2, (8, 24, 384, 384), dtype=jnp.float32)
    return {"seg_outs": seg_outs, "pad_ins_outs": pad_ins_outs}


def reference(seg_outs, pad_ins_outs):
    unit_length_by_vertical = _unit_length_by_vertical(seg_outs, DEFAULT_ROAD_SIZE)  # [B, H]
    unit_size_by_vertical = unit_length_by_vertical ** 2
    instance_size = jnp.sum(unit_size_by_vertical[:, None, :, None] * pad_ins_outs, axis=(2, 3))
    vertical_size = jnp.sum(
        unit_length_by_vertical[:, None, :]
        * jnp.any(pad_ins_outs > 0.5, axis=-1).astype(jnp.float32),
        axis=-1,
    )
    horizontal_size = jnp.max(
        jnp.sum(unit_length_by_vertical[:, None, :, None] * pad_ins_outs, axis=2), axis=-1
    )
    sizes = jnp.stack([instance_size, horizontal_size, vertical_size], axis=-1)
    return sizes

if __name__ == "__main__":
    import jax
    _d = setup_inputs()
    print(jax.jit(kernel)(*tuple(_d.values())))

</pallas_src>

<mosaic_0001>
#map = affine_map<(d0, d1) -> (0)>
module attributes {stable_mosaic.version = 14 : i64} {
  func.func @k(%arg0: i32, %arg1: i32, %arg2: memref<3538944xf32, #tpu.memory_space<hbm>>, %arg3: memref<49152xf32, #tpu.memory_space<hbm>>, %arg4: memref<110592xf32, #tpu.memory_space<vmem>>, %arg5: memref<1536xf32, #tpu.memory_space<vmem>>) attributes {dimension_semantics = [#tpu.dimension_semantics<core_parallel>, #tpu.dimension_semantics<subcore_parallel>], iteration_bounds = array<i64: 2, 16>, scalar_prefetch = 0 : i64, scratch_operands = 2 : i64, tpu.core_type = #tpu.core_type<sc_vector_subcore>, window_params = [{transform_indices = #map}, {transform_indices = #map}]} {
    %mul3A = arith.constant 2 : i32
    %mul3A_0 = arith.muli %arg1, %mul3A : i32
    %add3A = arith.addi %mul3A_0, %arg0 : i32
    %mul3A_1 = arith.constant 96 : i32
    %mul3A_2 = arith.muli %add3A, %mul3A_1 : i32
    %mul3A_3 = arith.constant 3 : i32
    %mul3A_4 = arith.muli %mul3A_2, %mul3A_3 : i32
    %mul3A_5 = arith.constant 384 : i32
    %mul3A_6 = arith.muli %mul3A_4, %mul3A_5 : i32
    "tpu.region"() ({
      %run_scoped3A = tpu.sem_alloc : memref<!tpu.dma_semaphore, #tpu.memory_space<semaphore_mem>>
      %dma_start3A = tpu.memref_slice %arg2[%mul3A_6] : memref<3538944xf32, #tpu.memory_space<hbm>> -> memref<110592xf32, #tpu.memory_space<hbm>>
      %dma_start3A_256 = tpu.memref_slice %arg2[%mul3A_6] : memref<3538944xf32, #tpu.memory_space<hbm>> -> memref<110592xf32, #tpu.memory_space<hbm>>
      tpu.enqueue_dma source(%dma_start3A_256 : memref<110592xf32, #tpu.memory_space<hbm>>) target(%arg4 : memref<110592xf32, #tpu.memory_space<vmem>>) target_semaphore(%run_scoped3A : memref<!tpu.dma_semaphore, #tpu.memory_space<semaphore_mem>>)
      %dma_wait3A = tpu.memref_slice %arg2[%mul3A_6] : memref<3538944xf32, #tpu.memory_space<hbm>> -> memref<110592xf32, #tpu.memory_space<hbm>>
      %dma_wait3A_257 = tpu.memref_slice %arg2[%mul3A_6] : memref<3538944xf32, #tpu.memory_space<hbm>> -> memref<110592xf32, #tpu.memory_space<hbm>>
      tpu.wait_dma2 semaphore(%run_scoped3A : memref<!tpu.dma_semaphore, #tpu.memory_space<semaphore_mem>>) src(%dma_wait3A_257 : memref<110592xf32, #tpu.memory_space<hbm>>) dst(%arg4 : memref<110592xf32, #tpu.memory_space<vmem>>)
      tpu.yield
    }) : () -> ()
    %iota3A = tpu.iota {dimensions = array<i32: 0>} : vector<16xi32>
    %convert_element_type3A = arith.sitofp %iota3A : vector<16xi32> to vector<16xf32>
    %add3A_7 = arith.constant 0 : i32
    %add3A_8 = vector.broadcast %add3A_7 : i32 to vector<16xi32>
    %add3A_9 = arith.addi %add3A_8, %iota3A : vector<16xi32>
    %mul3A_10 = arith.constant 1152 : i32
    %mul3A_11 = vector.broadcast %mul3A_10 : i32 to vector<16xi32>
    %mul3A_12 = arith.muli %add3A_9, %mul3A_11 : vector<16xi32>
    %mul3A_13 = arith.constant 0.000000e+00 : f32
    %mul3A_14 = vector.broadcast %mul3A_13 : f32 to vector<16xf32>
    %mul3A_15 = arith.mulf %convert_element_type3A, %mul3A_14 : vector<16xf32>
    %add3A_16 = arith.constant 3.840000e+02 : f32
    %add3A_17 = vector.broadcast %add3A_16 : f32 to vector<16xf32>
    %add3A_18 = arith.addf %mul3A_15, %add3A_17 : vector<16xf32>
    %mul3A_19 = arith.constant 0.000000e+00 : f32
    %mul3A_20 = vector.broadcast %mul3A_19 : f32 to vector<16xf32>
    %mul3A_21 = arith.mulf %convert_element_type3A, %mul3A_20 : vector<16xf32>
    %add3A_22 = arith.constant -1.000000e+00 : f32
    %add3A_23 = vector.broadcast %add3A_22 : f32 to vector<16xf32>
    %add3A_24 = arith.addf %mul3A_21, %add3A_23 : vector<16xf32>
    %scan3A = arith.constant 0 : i32
    %scan3A_25 = arith.constant 384 : i32
    %scan3A_26 = arith.addi %scan3A, %scan3A_25 : i32
    %scan3A_27 = arith.constant 1 : i32
    %scan3A_28:2 = scf.for %scan3A_256 = %scan3A to %scan3A_26 step %scan3A_27 iter_args(%scan3A_257 = %add3A_18, %scan3A_258 = %add3A_24) -> (vector<16xf32>, vector<16xf32>)  : i32 {
      %mul3A_259 = arith.constant 3 : i32
      %mul3A_260 = arith.muli %mul3A_259, %scan3A_256 : i32
      %add3A_261 = arith.constant 1 : i32
      %add3A_262 = arith.addi %mul3A_260, %add3A_261 : i32
      %add3A_263 = vector.broadcast %add3A_262 : i32 to vector<16xi32>
      %add3A_264 = arith.addi %mul3A_12, %add3A_263 : vector<16xi32>
      %gather3A = tpu.vector_load_idx %arg4[%add3A_264] : memref<110592xf32, #tpu.memory_space<vmem>>[vector<16xi32>], vector<16xf32>,
      %gt3A_265 = arith.constant 0.000000e+00 : f32
      %gt3A_266 = vector.broadcast %gt3A_265 : f32 to vector<16xf32>
      %gt3A_267 = arith.cmpf ogt, %gather3A, %gt3A_266 : vector<16xf32>
      %mul3A_268 = arith.constant 0.000000e+00 : f32
      %mul3A_269 = vector.broadcast %mul3A_268 : f32 to vector<16xf32>
      %mul3A_270 = arith.mulf %convert_element_type3A, %mul3A_269 : vector<16xf32>
      %convert_element_type3A_271 = arith.sitofp %scan3A_256 : i32 to f32
      %add3A_272 = vector.broadcast %convert_element_type3A_271 : f32 to vector<16xf32>
      %add3A_273 = arith.addf %mul3A_270, %add3A_272 : vector<16xf32>
      %jit3A_274 = arith.constant 3.840000e+02 : f32
      %broadcast_in_dim3A_275 = vector.broadcast %jit3A_274 : f32 to vector<16xf32>
      %select_n3A_276 = arith.select %gt3A_267, %add3A_273, %broadcast_in_dim3A_275 : vector<16xi1>, vector<16xf32>
      %min3A = arith.minimumf %scan3A_257, %select_n3A_276 : vector<16xf32>
      %jit3A_277 = arith.constant -1.000000e+00 : f32
      %broadcast_in_dim3A_278 = vector.broadcast %jit3A_277 : f32 to vector<16xf32>
      %select_n3A_279 = arith.select %gt3A_267, %add3A_273, %broadcast_in_dim3A_278 : vector<16xi1>, vector<16xf32>
      %max3A = arith.maximumf %scan3A_258, %select_n3A_279 : vector<16xf32>
      scf.yield %min3A, %max3A : vector<16xf32>, vector<16xf32>
    }
    %scan3A_29 = arith.constant 384 : i32
    %gt3A = arith.constant -5.000000e-01 : f32
    %gt3A_30 = vector.broadcast %gt3A : f32 to vector<16xf32>
    %gt3A_31 = arith.cmpf ogt, %scan3A_28#1, %gt3A_30 : vector<16xf32>
    %jit3A = arith.constant 0.000000e+00 : f32
    %broadcast_in_dim3A = vector.broadcast %jit3A : f32 to vector<16xf32>
    %select_n3A = arith.select %gt3A_31, %scan3A_28#0, %broadcast_in_dim3A : vector<16xi1>, vector<16xf32>
    %jit3A_32 = arith.constant 0.000000e+00 : f32
    %broadcast_in_dim3A_33 = vector.broadcast %jit3A_32 : f32 to vector<16xf32>
    %select_n3A_34 = arith.select %gt3A_31, %scan3A_28#1, %broadcast_in_dim3A_33 : vector<16xi1>, vector<16xf32>
    %mul3A_35 = arith.constant 16 : i32
    %mul3A_36 = vector.broadcast %mul3A_35 : i32 to vector<16xi32>
    %mul3A_37 = arith.muli %add3A_9, %mul3A_36 : vector<16xi32>
    tpu.vector_store_idx %arg5[%mul3A_37], %select_n3A : memref<1536xf32, #tpu.memory_space<vmem>>[vector<16xi32>], vector<16xf32>,
    %mul3A_38 = arith.constant 16 : i32
    %mul3A_39 = vector.broadcast %mul3A_38 : i32 to vector<16xi32>
    %mul3A_40 = arith.muli %add3A_9, %mul3A_39 : vector<16xi32>
    %add3A_41 = arith.constant 1 : i32
    %add3A_42 = vector.broadcast %add3A_41 : i32 to vector<16xi32>
    %add3A_43 = arith.addi %mul3A_40, %add3A_42 : vector<16xi32>
    tpu.vector_store_idx %arg5[%add3A_43], %select_n3A_34 : memref<1536xf32, #tpu.memory_space<vmem>>[vector<16xi32>], vector<16xf32>,
    %add3A_44 = arith.constant 16 : i32
    %add3A_45 = vector.broadcast %add3A_44 : i32 to vector<16xi32>
    %add3A_46 = arith.addi %add3A_45, %iota3A : vector<16xi32>
    %mul3A_47 = arith.constant 1152 : i32
    %mul3A_48 = vector.broadcast %mul3A_47 : i32 to vector<16xi32>
    %mul3A_49 = arith.muli %add3A_46, %mul3A_48 : vector<16xi32>
    %mul3A_50 = arith.constant 0.000000e+00 : f32
    %mul3A_51 = vector.broadcast %mul3A_50 : f32 to vector<16xf32>
    %mul3A_52 = arith.mulf %convert_element_type3A, %mul3A_51 : vector<16xf32>
    %add3A_53 = arith.constant 3.840000e+02 : f32
    %add3A_54 = vector.broadcast %add3A_53 : f32 to vector<16xf32>
    %add3A_55 = arith.addf %mul3A_52, %add3A_54 : vector<16xf32>
    %mul3A_56 = arith.constant 0.000000e+00 : f32
    %mul3A_57 = vector.broadcast %mul3A_56 : f32 to vector<16xf32>
    %mul3A_58 = arith.mulf %convert_element_type3A, %mul3A_57 : vector<16xf32>
    %add3A_59 = arith.constant -1.000000e+00 : f32
    %add3A_60 = vector.broadcast %add3A_59 : f32 to vector<16xf32>
    %add3A_61 = arith.addf %mul3A_58, %add3A_60 : vector<16xf32>
    %scan3A_62 = arith.constant 0 : i32
    %scan3A_63 = arith.constant 384 : i32
    %scan3A_64 = arith.addi %scan3A_62, %scan3A_63 : i32
    %scan3A_65 = arith.constant 1 : i32
    %scan3A_66:2 = scf.for %scan3A_256 = %scan3A_62 to %scan3A_64 step %scan3A_65 iter_args(%scan3A_257 = %add3A_55, %scan3A_258 = %add3A_61) -> (vector<16xf32>, vector<16xf32>)  : i32 {
      %mul3A_259 = arith.constant 3 : i32
      %mul3A_260 = arith.muli %mul3A_259, %scan3A_256 : i32
      %add3A_261 = arith.constant 1 : i32
      %add3A_262 = arith.addi %mul3A_260, %add3A_261 : i32
      %add3A_263 = vector.broadcast %add3A_262 : i32 to vector<16xi32>
      %add3A_264 = arith.addi %mul3A_49, %add3A_263 : vector<16xi32>
      %gather3A = tpu.vector_load_idx %arg4[%add3A_264] : memref<110592xf32, #tpu.memory_space<vmem>>[vector<16xi32>], vector<16xf32>,
      %gt3A_265 = arith.constant 0.000000e+00 : f32
      %gt3A_266 = vector.broadcast %gt3A_265 : f32 to vector<16xf32>
      %gt3A_267 = arith.cmpf ogt, %gather3A, %gt3A_266 : vector<16xf32>
      %mul3A_268 = arith.constant 0.000000e+00 : f32
      %mul3A_269 = vector.broadcast %mul3A_268 : f32 to vector<16xf32>
      %mul3A_270 = arith.mulf %convert_element_type3A, %mul3A_269 : vector<16xf32>
      %convert_element_type3A_271 = arith.sitofp %scan3A_256 : i32 to f32
      %add3A_272 = vector.broadcast %convert_element_type3A_271 : f32 to vector<16xf32>
      %add3A_273 = arith.addf %mul3A_270, %add3A_272 : vector<16xf32>
      %jit3A_274 = arith.constant 3.840000e+02 : f32
      %broadcast_in_dim3A_275 = vector.broadcast %jit3A_274 : f32 to vector<16xf32>
      %select_n3A_276 = arith.select %gt3A_267, %add3A_273, %broadcast_in_dim3A_275 : vector<16xi1>, vector<16xf32>
      %min3A = arith.minimumf %scan3A_257, %select_n3A_276 : vector<16xf32>
      %jit3A_277 = arith.constant -1.000000e+00 : f32
      %broadcast_in_dim3A_278 = vector.broadcast %jit3A_277 : f32 to vector<16xf32>
      %select_n3A_279 = arith.select %gt3A_267, %add3A_273, %broadcast_in_dim3A_278 : vector<16xi1>, vector<16xf32>
      %max3A = arith.maximumf %scan3A_258, %select_n3A_279 : vector<16xf32>
      scf.yield %min3A, %max3A : vector<16xf32>, vector<16xf32>
    }
    %scan3A_67 = arith.constant 384 : i32
    %gt3A_68 = arith.constant -5.000000e-01 : f32
    %gt3A_69 = vector.broadcast %gt3A_68 : f32 to vector<16xf32>
    %gt3A_70 = arith.cmpf ogt, %scan3A_66#1, %gt3A_69 : vector<16xf32>
    %jit3A_71 = arith.constant 0.000000e+00 : f32
    %broadcast_in_dim3A_72 = vector.broadcast %jit3A_71 : f32 to vector<16xf32>
    %select_n3A_73 = arith.select %gt3A_70, %scan3A_66#0, %broadcast_in_dim3A_72 : vector<16xi1>, vector<16xf32>
    %jit3A_74 = arith.constant 0.000000e+00 : f32
    %broadcast_in_dim3A_75 = vector.broadcast %jit3A_74 : f32 to vector<16xf32>
    %select_n3A_76 = arith.select %gt3A_70, %scan3A_66#1, %broadcast_in_dim3A_75 : vector<16xi1>, vector<16xf32>
    %mul3A_77 = arith.constant 16 : i32
    %mul3A_78 = vector.broadcast %mul3A_77 : i32 to vector<16xi32>
    %mul3A_79 = arith.muli %add3A_46, %mul3A_78 : vector<16xi32>
    tpu.vector_store_idx %arg5[%mul3A_79], %select_n3A_73 : memref<1536xf32, #tpu.memory_space<vmem>>[vector<16xi32>], vector<16xf32>,
    %mul3A_80 = arith.constant 16 : i32
    %mul3A_81 = vector.broadcast %mul3A_80 : i32 to vector<16xi32>
    %mul3A_82 = arith.muli %add3A_46, %mul3A_81 : vector<16xi32>
    %add3A_83 = arith.constant 1 : i32
    %add3A_84 = vector.broadcast %add3A_83 : i32 to vector<16xi32>
    %add3A_85 = arith.addi %mul3A_82, %add3A_84 : vector<16xi32>
    tpu.vector_store_idx %arg5[%add3A_85], %select_n3A_76 : memref<1536xf32, #tpu.memory_space<vmem>>[vector<16xi32>], vector<16xf32>,
    %add3A_86 = arith.constant 32 : i32
    %add3A_87 = vector.broadcast %add3A_86 : i32 to vector<16xi32>
    %add3A_88 = arith.addi %add3A_87, %iota3A : vector<16xi32>
    %mul3A_89 = arith.constant 1152 : i32
    %mul3A_90 = vector.broadcast %mul3A_89 : i32 to vector<16xi32>
    %mul3A_91 = arith.muli %add3A_88, %mul3A_90 : vector<16xi32>
    %mul3A_92 = arith.constant 0.000000e+00 : f32
    %mul3A_93 = vector.broadcast %mul3A_92 : f32 to vector<16xf32>
    %mul3A_94 = arith.mulf %convert_element_type3A, %mul3A_93 : vector<16xf32>
    %add3A_95 = arith.constant 3.840000e+02 : f32
    %add3A_96 = vector.broadcast %add3A_95 : f32 to vector<16xf32>
    %add3A_97 = arith.addf %mul3A_94, %add3A_96 : vector<16xf32>
    %mul3A_98 = arith.constant 0.000000e+00 : f32
    %mul3A_99 = vector.broadcast %mul3A_98 : f32 to vector<16xf32>
    %mul3A_100 = arith.mulf %convert_element_type3A, %mul3A_99 : vector<16xf32>
    %add3A_101 = arith.constant -1.000000e+00 : f32
    %add3A_102 = vector.broadcast %add3A_101 : f32 to vector<16xf32>
    %add3A_103 = arith.addf %mul3A_100, %add3A_102 : vector<16xf32>
    %scan3A_104 = arith.constant 0 : i32
    %scan3A_105 = arith.constant 384 : i32
    %scan3A_106 = arith.addi %scan3A_104, %scan3A_105 : i32
    %scan3A_107 = arith.constant 1 : i32
    %scan3A_108:2 = scf.for %scan3A_256 = %scan3A_104 to %scan3A_106 step %scan3A_107 iter_args(%scan3A_257 = %add3A_97, %scan3A_258 = %add3A_103) -> (vector<16xf32>, vector<16xf32>)  : i32 {
      %mul3A_259 = arith.constant 3 : i32
      %mul3A_260 = arith.muli %mul3A_259, %scan3A_256 : i32
      %add3A_261 = arith.constant 1 : i32
      %add3A_262 = arith.addi %mul3A_260, %add3A_261 : i32
      %add3A_263 = vector.broadcast %add3A_262 : i32 to vector<16xi32>
      %add3A_264 = arith.addi %mul3A_91, %add3A_263 : vector<16xi32>
      %gather3A = tpu.vector_load_idx %arg4[%add3A_264] : memref<110592xf32, #tpu.memory_space<vmem>>[vector<16xi32>], vector<16xf32>,
      %gt3A_265 = arith.constant 0.000000e+00 : f32
      %gt3A_266 = vector.broadcast %gt3A_265 : f32 to vector<16xf32>
      %gt3A_267 = arith.cmpf ogt, %gather3A, %gt3A_266 : vector<16xf32>
      %mul3A_268 = arith.constant 0.000000e+00 : f32
      %mul3A_269 = vector.broadcast %mul3A_268 : f32 to vector<16xf32>
      %mul3A_270 = arith.mulf %convert_element_type3A, %mul3A_269 : vector<16xf32>
      %convert_element_type3A_271 = arith.sitofp %scan3A_256 : i32 to f32
      %add3A_272 = vector.broadcast %convert_element_type3A_271 : f32 to vector<16xf32>
      %add3A_273 = arith.addf %mul3A_270, %add3A_272 : vector<16xf32>
      %jit3A_274 = arith.constant 3.840000e+02 : f32
      %broadcast_in_dim3A_275 = vector.broadcast %jit3A_274 : f32 to vector<16xf32>
      %select_n3A_276 = arith.select %gt3A_267, %add3A_273, %broadcast_in_dim3A_275 : vector<16xi1>, vector<16xf32>
      %min3A = arith.minimumf %scan3A_257, %select_n3A_276 : vector<16xf32>
      %jit3A_277 = arith.constant -1.000000e+00 : f32
      %broadcast_in_dim3A_278 = vector.broadcast %jit3A_277 : f32 to vector<16xf32>
      %select_n3A_279 = arith.select %gt3A_267, %add3A_273, %broadcast_in_dim3A_278 : vector<16xi1>, vector<16xf32>
      %max3A = arith.maximumf %scan3A_258, %select_n3A_279 : vector<16xf32>
      scf.yield %min3A, %max3A : vector<16xf32>, vector<16xf32>
    }
    %scan3A_109 = arith.constant 384 : i32
    %gt3A_110 = arith.constant -5.000000e-01 : f32
    %gt3A_111 = vector.broadcast %gt3A_110 : f32 to vector<16xf32>
    %gt3A_112 = arith.cmpf ogt, %scan3A_108#1, %gt3A_111 : vector<16xf32>
    %jit3A_113 = arith.constant 0.000000e+00 : f32
    %broadcast_in_dim3A_114 = vector.broadcast %jit3A_113 : f32 to vector<16xf32>
    %select_n3A_115 = arith.select %gt3A_112, %scan3A_108#0, %broadcast_in_dim3A_114 : vector<16xi1>, vector<16xf32>
    %jit3A_116 = arith.constant 0.000000e+00 : f32
    %broadcast_in_dim3A_117 = vector.broadcast %jit3A_116 : f32 to vector<16xf32>
    %select_n3A_118 = arith.select %gt3A_112, %scan3A_108#1, %broadcast_in_dim3A_117 : vector<16xi1>, vector<16xf32>
    %mul3A_119 = arith.constant 16 : i32
    %mul3A_120 = vector.broadcast %mul3A_119 : i32 to vector<16xi32>
    %mul3A_121 = arith.muli %add3A_88, %mul3A_120 : vector<16xi32>
    tpu.vector_store_idx %arg5[%mul3A_121], %select_n3A_115 : memref<1536xf32, #tpu.memory_space<vmem>>[vector<16xi32>], vector<16xf32>,
    %mul3A_122 = arith.constant 16 : i32
    %mul3A_123 = vector.broadcast %mul3A_122 : i32 to vector<16xi32>
    %mul3A_124 = arith.muli %add3A_88, %mul3A_123 : vector<16xi32>
    %add3A_125 = arith.constant 1 : i32
    %add3A_126 = vector.broadcast %add3A_125 : i32 to vector<16xi32>
    %add3A_127 = arith.addi %mul3A_124, %add3A_126 : vector<16xi32>
    tpu.vector_store_idx %arg5[%add3A_127], %select_n3A_118 : memref<1536xf32, #tpu.memory_space<vmem>>[vector<16xi32>], vector<16xf32>,
    %add3A_128 = arith.constant 48 : i32
    %add3A_129 = vector.broadcast %add3A_128 : i32 to vector<16xi32>
    %add3A_130 = arith.addi %add3A_129, %iota3A : vector<16xi32>
    %mul3A_131 = arith.constant 1152 : i32
    %mul3A_132 = vector.broadcast %mul3A_131 : i32 to vector<16xi32>
    %mul3A_133 = arith.muli %add3A_130, %mul3A_132 : vector<16xi32>
    %mul3A_134 = arith.constant 0.000000e+00 : f32
    %mul3A_135 = vector.broadcast %mul3A_134 : f32 to vector<16xf32>
    %mul3A_136 = arith.mulf %convert_element_type3A, %mul3A_135 : vector<16xf32>
    %add3A_137 = arith.constant 3.840000e+02 : f32
    %add3A_138 = vector.broadcast %add3A_137 : f32 to vector<16xf32>
    %add3A_139 = arith.addf %mul3A_136, %add3A_138 : vector<16xf32>
    %mul3A_140 = arith.constant 0.000000e+00 : f32
    %mul3A_141 = vector.broadcast %mul3A_140 : f32 to vector<16xf32>
    %mul3A_142 = arith.mulf %convert_element_type3A, %mul3A_141 : vector<16xf32>
    %add3A_143 = arith.constant -1.000000e+00 : f32
    %add3A_144 = vector.broadcast %add3A_143 : f32 to vector<16xf32>
    %add3A_145 = arith.addf %mul3A_142, %add3A_144 : vector<16xf32>
    %scan3A_146 = arith.constant 0 : i32
    %scan3A_147 = arith.constant 384 : i32
    %scan3A_148 = arith.addi %scan3A_146, %scan3A_147 : i32
    %scan3A_149 = arith.constant 1 : i32
    %scan3A_150:2 = scf.for %scan3A_256 = %scan3A_146 to %scan3A_148 step %scan3A_149 iter_args(%scan3A_257 = %add3A_139, %scan3A_258 = %add3A_145) -> (vector<16xf32>, vector<16xf32>)  : i32 {
      %mul3A_259 = arith.constant 3 : i32
      %mul3A_260 = arith.muli %mul3A_259, %scan3A_256 : i32
      %add3A_261 = arith.constant 1 : i32
      %add3A_262 = arith.addi %mul3A_260, %add3A_261 : i32
      %add3A_263 = vector.broadcast %add3A_262 : i32 to vector<16xi32>
      %add3A_264 = arith.addi %mul3A_133, %add3A_263 : vector<16xi32>
      %gather3A = tpu.vector_load_idx %arg4[%add3A_264] : memref<110592xf32, #tpu.memory_space<vmem>>[vector<16xi32>], vector<16xf32>,
      %gt3A_265 = arith.constant 0.000000e+00 : f32
      %gt3A_266 = vector.broadcast %gt3A_265 : f32 to vector<16xf32>
      %gt3A_267 = arith.cmpf ogt, %gather3A, %gt3A_266 : vector<16xf32>
      %mul3A_268 = arith.constant 0.000000e+00 : f32
      %mul3A_269 = vector.broadcast %mul3A_268 : f32 to vector<16xf32>
      %mul3A_270 = arith.mulf %convert_element_type3A, %mul3A_269 : vector<16xf32>
      %convert_element_type3A_271 = arith.sitofp %scan3A_256 : i32 to f32
      %add3A_272 = vector.broadcast %convert_element_type3A_271 : f32 to vector<16xf32>
      %add3A_273 = arith.addf %mul3A_270, %add3A_272 : vector<16xf32>
      %jit3A_274 = arith.constant 3.840000e+02 : f32
      %broadcast_in_dim3A_275 = vector.broadcast %jit3A_274 : f32 to vector<16xf32>
      %select_n3A_276 = arith.select %gt3A_267, %add3A_273, %broadcast_in_dim3A_275 : vector<16xi1>, vector<16xf32>
      %min3A = arith.minimumf %scan3A_257, %select_n3A_276 : vector<16xf32>
      %jit3A_277 = arith.constant -1.000000e+00 : f32
      %broadcast_in_dim3A_278 = vector.broadcast %jit3A_277 : f32 to vector<16xf32>
      %select_n3A_279 = arith.select %gt3A_267, %add3A_273, %broadcast_in_dim3A_278 : vector<16xi1>, vector<16xf32>
      %max3A = arith.maximumf %scan3A_258, %select_n3A_279 : vector<16xf32>
      scf.yield %min3A, %max3A : vector<16xf32>, vector<16xf32>
    }
    %scan3A_151 = arith.constant 384 : i32
    %gt3A_152 = arith.constant -5.000000e-01 : f32
    %gt3A_153 = vector.broadcast %gt3A_152 : f32 to vector<16xf32>
    %gt3A_154 = arith.cmpf ogt, %scan3A_150#1, %gt3A_153 : vector<16xf32>
    %jit3A_155 = arith.constant 0.000000e+00 : f32
    %broadcast_in_dim3A_156 = vector.broadcast %jit3A_155 : f32 to vector<16xf32>
    %select_n3A_157 = arith.select %gt3A_154, %scan3A_150#0, %broadcast_in_dim3A_156 : vector<16xi1>, vector<16xf32>
    %jit3A_158 = arith.constant 0.000000e+00 : f32
    %broadcast_in_dim3A_159 = vector.broadcast %jit3A_158 : f32 to vector<16xf32>
    %select_n3A_160 = arith.select %gt3A_154, %scan3A_150#1, %broadcast_in_dim3A_159 : vector<16xi1>, vector<16xf32>
    %mul3A_161 = arith.constant 16 : i32
    %mul3A_162 = vector.broadcast %mul3A_161 : i32 to vector<16xi32>
    %mul3A_163 = arith.muli %add3A_130, %mul3A_162 : vector<16xi32>
    tpu.vector_store_idx %arg5[%mul3A_163], %select_n3A_157 : memref<1536xf32, #tpu.memory_space<vmem>>[vector<16xi32>], vector<16xf32>,
    %mul3A_164 = arith.constant 16 : i32
    %mul3A_165 = vector.broadcast %mul3A_164 : i32 to vector<16xi32>
    %mul3A_166 = arith.muli %add3A_130, %mul3A_165 : vector<16xi32>
    %add3A_167 = arith.constant 1 : i32
    %add3A_168 = vector.broadcast %add3A_167 : i32 to vector<16xi32>
    %add3A_169 = arith.addi %mul3A_166, %add3A_168 : vector<16xi32>
    tpu.vector_store_idx %arg5[%add3A_169], %select_n3A_160 : memref<1536xf32, #tpu.memory_space<vmem>>[vector<16xi32>], vector<16xf32>,
    %add3A_170 = arith.constant 64 : i32
    %add3A_171 = vector.broadcast %add3A_170 : i32 to vector<16xi32>
    %add3A_172 = arith.addi %add3A_171, %iota3A : vector<16xi32>
    %mul3A_173 = arith.constant 1152 : i32
    %mul3A_174 = vector.broadcast %mul3A_173 : i32 to vector<16xi32>
    %mul3A_175 = arith.muli %add3A_172, %mul3A_174 : vector<16xi32>
    %mul3A_176 = arith.constant 0.000000e+00 : f32
    %mul3A_177 = vector.broadcast %mul3A_176 : f32 to vector<16xf32>
    %mul3A_178 = arith.mulf %convert_element_type3A, %mul3A_177 : vector<16xf32>
    %add3A_179 = arith.constant 3.840000e+02 : f32
    %add3A_180 = vector.broadcast %add3A_179 : f32 to vector<16xf32>
    %add3A_181 = arith.addf %mul3A_178, %add3A_180 : vector<16xf32>
    %mul3A_182 = arith.constant 0.000000e+00 : f32
    %mul3A_183 = vector.broadcast %mul3A_182 : f32 to vector<16xf32>
    %mul3A_184 = arith.mulf %convert_element_type3A, %mul3A_183 : vector<16xf32>
    %add3A_185 = arith.constant -1.000000e+00 : f32
    %add3A_186 = vector.broadcast %add3A_185 : f32 to vector<16xf32>
    %add3A_187 = arith.addf %mul3A_184, %add3A_186 : vector<16xf32>
    %scan3A_188 = arith.constant 0 : i32
    %scan3A_189 = arith.constant 384 : i32
    %scan3A_190 = arith.addi %scan3A_188, %scan3A_189 : i32
    %scan3A_191 = arith.constant 1 : i32
    %scan3A_192:2 = scf.for %scan3A_256 = %scan3A_188 to %scan3A_190 step %scan3A_191 iter_args(%scan3A_257 = %add3A_181, %scan3A_258 = %add3A_187) -> (vector<16xf32>, vector<16xf32>)  : i32 {
      %mul3A_259 = arith.constant 3 : i32
      %mul3A_260 = arith.muli %mul3A_259, %scan3A_256 : i32
      %add3A_261 = arith.constant 1 : i32
      %add3A_262 = arith.addi %mul3A_260, %add3A_261 : i32
      %add3A_263 = vector.broadcast %add3A_262 : i32 to vector<16xi32>
      %add3A_264 = arith.addi %mul3A_175, %add3A_263 : vector<16xi32>
      %gather3A = tpu.vector_load_idx %arg4[%add3A_264] : memref<110592xf32, #tpu.memory_space<vmem>>[vector<16xi32>], vector<16xf32>,
      %gt3A_265 = arith.constant 0.000000e+00 : f32
      %gt3A_266 = vector.broadcast %gt3A_265 : f32 to vector<16xf32>
      %gt3A_267 = arith.cmpf ogt, %gather3A, %gt3A_266 : vector<16xf32>
      %mul3A_268 = arith.constant 0.000000e+00 : f32
      %mul3A_269 = vector.broadcast %mul3A_268 : f32 to vector<16xf32>
      %mul3A_270 = arith.mulf %convert_element_type3A, %mul3A_269 : vector<16xf32>
      %convert_element_type3A_271 = arith.sitofp %scan3A_256 : i32 to f32
      %add3A_272 = vector.broadcast %convert_element_type3A_271 : f32 to vector<16xf32>
      %add3A_273 = arith.addf %mul3A_270, %add3A_272 : vector<16xf32>
      %jit3A_274 = arith.constant 3.840000e+02 : f32
      %broadcast_in_dim3A_275 = vector.broadcast %jit3A_274 : f32 to vector<16xf32>
      %select_n3A_276 = arith.select %gt3A_267, %add3A_273, %broadcast_in_dim3A_275 : vector<16xi1>, vector<16xf32>
      %min3A = arith.minimumf %scan3A_257, %select_n3A_276 : vector<16xf32>
      %jit3A_277 = arith.constant -1.000000e+00 : f32
      %broadcast_in_dim3A_278 = vector.broadcast %jit3A_277 : f32 to vector<16xf32>
      %select_n3A_279 = arith.select %gt3A_267, %add3A_273, %broadcast_in_dim3A_278 : vector<16xi1>, vector<16xf32>
      %max3A = arith.maximumf %scan3A_258, %select_n3A_279 : vector<16xf32>
      scf.yield %min3A, %max3A : vector<16xf32>, vector<16xf32>
    }
    %scan3A_193 = arith.constant 384 : i32
    %gt3A_194 = arith.constant -5.000000e-01 : f32
    %gt3A_195 = vector.broadcast %gt3A_194 : f32 to vector<16xf32>
    %gt3A_196 = arith.cmpf ogt, %scan3A_192#1, %gt3A_195 : vector<16xf32>
    %jit3A_197 = arith.constant 0.000000e+00 : f32
    %broadcast_in_dim3A_198 = vector.broadcast %jit3A_197 : f32 to vector<16xf32>
    %select_n3A_199 = arith.select %gt3A_196, %scan3A_192#0, %broadcast_in_dim3A_198 : vector<16xi1>, vector<16xf32>
    %jit3A_200 = arith.constant 0.000000e+00 : f32
    %broadcast_in_dim3A_201 = vector.broadcast %jit3A_200 : f32 to vector<16xf32>
    %select_n3A_202 = arith.select %gt3A_196, %scan3A_192#1, %broadcast_in_dim3A_201 : vector<16xi1>, vector<16xf32>
    %mul3A_203 = arith.constant 16 : i32
    %mul3A_204 = vector.broadcast %mul3A_203 : i32 to vector<16xi32>
    %mul3A_205 = arith.muli %add3A_172, %mul3A_204 : vector<16xi32>
    tpu.vector_store_idx %arg5[%mul3A_205], %select_n3A_199 : memref<1536xf32, #tpu.memory_space<vmem>>[vector<16xi32>], vector<16xf32>,
    %mul3A_206 = arith.constant 16 : i32
    %mul3A_207 = vector.broadcast %mul3A_206 : i32 to vector<16xi32>
    %mul3A_208 = arith.muli %add3A_172, %mul3A_207 : vector<16xi32>
    %add3A_209 = arith.constant 1 : i32
    %add3A_210 = vector.broadcast %add3A_209 : i32 to vector<16xi32>
    %add3A_211 = arith.addi %mul3A_208, %add3A_210 : vector<16xi32>
    tpu.vector_store_idx %arg5[%add3A_211], %select_n3A_202 : memref<1536xf32, #tpu.memory_space<vmem>>[vector<16xi32>], vector<16xf32>,
    %add3A_212 = arith.constant 80 : i32
    %add3A_213 = vector.broadcast %add3A_212 : i32 to vector<16xi32>
    %add3A_214 = arith.addi %add3A_213, %iota3A : vector<16xi32>
    %mul3A_215 = arith.constant 1152 : i32
    %mul3A_216 = vector.broadcast %mul3A_215 : i32 to vector<16xi32>
    %mul3A_217 = arith.muli %add3A_214, %mul3A_216 : vector<16xi32>
    %mul3A_218 = arith.constant 0.000000e+00 : f32
    %mul3A_219 = vector.broadcast %mul3A_218 : f32 to vector<16xf32>
    %mul3A_220 = arith.mulf %convert_element_type3A, %mul3A_219 : vector<16xf32>
    %add3A_221 = arith.constant 3.840000e+02 : f32
    %add3A_222 = vector.broadcast %add3A_221 : f32 to vector<16xf32>
    %add3A_223 = arith.addf %mul3A_220, %add3A_222 : vector<16xf32>
    %mul3A_224 = arith.constant 0.000000e+00 : f32
    %mul3A_225 = vector.broadcast %mul3A_224 : f32 to vector<16xf32>
    %mul3A_226 = arith.mulf %convert_element_type3A, %mul3A_225 : vector<16xf32>
    %add3A_227 = arith.constant -1.000000e+00 : f32
    %add3A_228 = vector.broadcast %add3A_227 : f32 to vector<16xf32>
    %add3A_229 = arith.addf %mul3A_226, %add3A_228 : vector<16xf32>
    %scan3A_230 = arith.constant 0 : i32
    %scan3A_231 = arith.constant 384 : i32
    %scan3A_232 = arith.addi %scan3A_230, %scan3A_231 : i32
    %scan3A_233 = arith.constant 1 : i32
    %scan3A_234:2 = scf.for %scan3A_256 = %scan3A_230 to %scan3A_232 step %scan3A_233 iter_args(%scan3A_257 = %add3A_223, %scan3A_258 = %add3A_229) -> (vector<16xf32>, vector<16xf32>)  : i32 {
      %mul3A_259 = arith.constant 3 : i32
      %mul3A_260 = arith.muli %mul3A_259, %scan3A_256 : i32
      %add3A_261 = arith.constant 1 : i32
      %add3A_262 = arith.addi %mul3A_260, %add3A_261 : i32
      %add3A_263 = vector.broadcast %add3A_262 : i32 to vector<16xi32>
      %add3A_264 = arith.addi %mul3A_217, %add3A_263 : vector<16xi32>
      %gather3A = tpu.vector_load_idx %arg4[%add3A_264] : memref<110592xf32, #tpu.memory_space<vmem>>[vector<16xi32>], vector<16xf32>,
      %gt3A_265 = arith.constant 0.000000e+00 : f32
      %gt3A_266 = vector.broadcast %gt3A_265 : f32 to vector<16xf32>
      %gt3A_267 = arith.cmpf ogt, %gather3A, %gt3A_266 : vector<16xf32>
      %mul3A_268 = arith.constant 0.000000e+00 : f32
      %mul3A_269 = vector.broadcast %mul3A_268 : f32 to vector<16xf32>
      %mul3A_270 = arith.mulf %convert_element_type3A, %mul3A_269 : vector<16xf32>
      %convert_element_type3A_271 = arith.sitofp %scan3A_256 : i32 to f32
      %add3A_272 = vector.broadcast %convert_element_type3A_271 : f32 to vector<16xf32>
      %add3A_273 = arith.addf %mul3A_270, %add3A_272 : vector<16xf32>
      %jit3A_274 = arith.constant 3.840000e+02 : f32
      %broadcast_in_dim3A_275 = vector.broadcast %jit3A_274 : f32 to vector<16xf32>
      %select_n3A_276 = arith.select %gt3A_267, %add3A_273, %broadcast_in_dim3A_275 : vector<16xi1>, vector<16xf32>
      %min3A = arith.minimumf %scan3A_257, %select_n3A_276 : vector<16xf32>
      %jit3A_277 = arith.constant -1.000000e+00 : f32
      %broadcast_in_dim3A_278 = vector.broadcast %jit3A_277 : f32 to vector<16xf32>
      %select_n3A_279 = arith.select %gt3A_267, %add3A_273, %broadcast_in_dim3A_278 : vector<16xi1>, vector<16xf32>
      %max3A = arith.maximumf %scan3A_258, %select_n3A_279 : vector<16xf32>
      scf.yield %min3A, %max3A : vector<16xf32>, vector<16xf32>
    }
    %scan3A_235 = arith.constant 384 : i32
    %gt3A_236 = arith.constant -5.000000e-01 : f32
    %gt3A_237 = vector.broadcast %gt3A_236 : f32 to vector<16xf32>
    %gt3A_238 = arith.cmpf ogt, %scan3A_234#1, %gt3A_237 : vector<16xf32>
    %jit3A_239 = arith.constant 0.000000e+00 : f32
    %broadcast_in_dim3A_240 = vector.broadcast %jit3A_239 : f32 to vector<16xf32>
    %select_n3A_241 = arith.select %gt3A_238, %scan3A_234#0, %broadcast_in_dim3A_240 : vector<16xi1>, vector<16xf32>
    %jit3A_242 = arith.constant 0.000000e+00 : f32
    %broadcast_in_dim3A_243 = vector.broadcast %jit3A_242 : f32 to vector<16xf32>
    %select_n3A_244 = arith.select %gt3A_238, %scan3A_234#1, %broadcast_in_dim3A_243 : vector<16xi1>, vector<16xf32>
    %mul3A_245 = arith.constant 16 : i32
    %mul3A_246 = vector.broadcast %mul3A_245 : i32 to vector<16xi32>
    %mul3A_247 = arith.muli %add3A_214, %mul3A_246 : vector<16xi32>
    tpu.vector_store_idx %arg5[%mul3A_247], %select_n3A_241 : memref<1536xf32, #tpu.memory_space<vmem>>[vector<16xi32>], vector<16xf32>,
    %mul3A_248 = arith.constant 16 : i32
    %mul3A_249 = vector.broadcast %mul3A_248 : i32 to vector<16xi32>
    %mul3A_250 = arith.muli %add3A_214, %mul3A_249 : vector<16xi32>
    %add3A_251 = arith.constant 1 : i32
    %add3A_252 = vector.broadcast %add3A_251 : i32 to vector<16xi32>
    %add3A_253 = arith.addi %mul3A_250, %add3A_252 : vector<16xi32>
    tpu.vector_store_idx %arg5[%add3A_253], %select_n3A_244 : memref<1536xf32, #tpu.memory_space<vmem>>[vector<16xi32>], vector<16xf32>,
    %mul3A_254 = arith.constant 16 : i32
    %mul3A_255 = arith.muli %mul3A_2, %mul3A_254 : i32
    "tpu.region"() ({
      %run_scoped3A = tpu.sem_alloc : memref<!tpu.dma_semaphore, #tpu.memory_space<semaphore_mem>>
      %dma_start3A = tpu.memref_slice %arg3[%mul3A_255] : memref<49152xf32, #tpu.memory_space<hbm>> -> memref<1536xf32, #tpu.memory_space<hbm>>
      %dma_start3A_256 = tpu.memref_slice %arg3[%mul3A_255] : memref<49152xf32, #tpu.memory_space<hbm>> -> memref<1536xf32, #tpu.memory_space<hbm>>
      tpu.enqueue_dma source(%arg5 : memref<1536xf32, #tpu.memory_space<vmem>>) target(%dma_start3A_256 : memref<1536xf32, #tpu.memory_space<hbm>>) target_semaphore(%run_scoped3A : memref<!tpu.dma_semaphore, #tpu.memory_space<semaphore_mem>>)
      %dma_wait3A = tpu.memref_slice %arg3[%mul3A_255] : memref<49152xf32, #tpu.memory_space<hbm>> -> memref<1536xf32, #tpu.memory_space<hbm>>
      %dma_wait3A_257 = tpu.memref_slice %arg3[%mul3A_255] : memref<49152xf32, #tpu.memory_space<hbm>> -> memref<1536xf32, #tpu.memory_space<hbm>>
      tpu.wait_dma2 semaphore(%run_scoped3A : memref<!tpu.dma_semaphore, #tpu.memory_space<semaphore_mem>>) src(%arg5 : memref<1536xf32, #tpu.memory_space<vmem>>) dst(%dma_wait3A_257 : memref<1536xf32, #tpu.memory_space<hbm>>)
      tpu.yield
    }) : () -> ()
    return
  }
}

module attributes {stable_mosaic.version = 14 : i64} {
  func.func @_tc_kernel(%arg0: i32, %arg1: i32, %arg2: memref<1x384x16xf32, #tpu.memory_space<vmem>>, %arg3: memref<1x8x384x384xf32, #tpu.memory_space<vmem>>, %arg4: memref<1x8x1x128xf32, #tpu.memory_space<vmem>>, %arg5: memref<384x128xf32, #tpu.memory_space<vmem>>, %arg6: memref<384x128xf32, #tpu.memory_space<vmem>>, %arg7: memref<8x384xf32, #tpu.memory_space<vmem>>) attributes {dimension_semantics = [#tpu.dimension_semantics<arbitrary>, #tpu.dimension_semantics<arbitrary>], iteration_bounds = array<i64: 8, 3>, scalar_prefetch = 0 : i64, scratch_operands = 3 : i64, tpu.core_type = #tpu.core_type<tc>, window_params = [{transform_indices = @transform_0, window_bounds = array<i64: 1, 384, 16>}, {transform_indices = @transform_1, window_bounds = array<i64: 1, 8, 384, 384>}, {transform_indices = @transform_2, window_bounds = array<i64: 1, 8, 1, 128>}]} {
    %eq3A = arith.constant 0 : i32
    %eq3A_0 = arith.cmpi eq, %arg1, %eq3A : i32
    %convert_element_type3A = arith.extui %eq3A_0 : i1 to i32
    %cond3A = arith.constant 0 : i32
    %cond3A_1 = arith.cmpi ne, %convert_element_type3A, %cond3A : i32
    scf.if %cond3A_1 {
      %get3A_274 = arith.constant 0 : index
      %get3A_275 = arith.constant 0 : index
      %get3A_276 = arith.constant 0 : index
      %get3A_277 = vector.load %arg2[%get3A_274, %get3A_275, %get3A_276] : memref<1x384x16xf32, #tpu.memory_space<vmem>>, vector<1x384x16xf32>
      %get3A_278 = vector.shape_cast %get3A_277 : vector<1x384x16xf32> to vector<384x16xf32>
      %slice3A_279 = vector.extract_strided_slice %get3A_278 {offsets = [0, 0], sizes = [384, 1], strides = [1, 1]} : vector<384x16xf32> to vector<384x1xf32>
      %get3A_280 = arith.constant 0 : index
      %get3A_281 = arith.constant 0 : index
      %get3A_282 = arith.constant 0 : index
      %get3A_283 = vector.load %arg2[%get3A_280, %get3A_281, %get3A_282] : memref<1x384x16xf32, #tpu.memory_space<vmem>>, vector<1x384x16xf32>
      %get3A_284 = vector.shape_cast %get3A_283 : vector<1x384x16xf32> to vector<384x16xf32>
      %slice3A_285 = vector.extract_strided_slice %get3A_284 {offsets = [0, 1], sizes = [384, 1], strides = [1, 1]} : vector<384x16xf32> to vector<384x1xf32>
      %ne3A = arith.cmpf one, %slice3A_279, %slice3A_285 : vector<384x1xf32>
      %convert_element_type3A_286 = arith.extui %ne3A : vector<384x1xi1> to vector<384x1xi32>
      %convert_element_type3A_287 = arith.sitofp %convert_element_type3A_286 : vector<384x1xi32> to vector<384x1xf32>
      %reduce_sum3A_288 = vector.shape_cast %convert_element_type3A_287 : vector<384x1xf32> to vector<1x384x1xf32>
      %reduce_sum3A_289 = arith.constant dense<0.000000e+00> : vector<1xf32>
      %reduce_sum3A_290 = vector.multi_reduction <add>, %reduce_sum3A_288, %reduce_sum3A_289 [1, 2] : vector<1x384x1xf32> to vector<1xf32>
      %reduce_sum3A_291 = vector.shape_cast %reduce_sum3A_290 : vector<1xf32> to vector<1x1x1xf32>
      %reduce_sum3A_292 = vector.extract %reduce_sum3A_291[0, 0, 0] : f32 from vector<1x1x1xf32>
      %iota3A_293 = tpu.iota {dimensions = array<i32: 1>} : vector<384x384xi32>
      %iota3A_294 = tpu.iota {dimensions = array<i32: 0>} : vector<384x384xi32>
      %le3A = arith.cmpi sle, %iota3A_293, %iota3A_294 : vector<384x384xi32>
      %convert_element_type3A_295 = arith.extui %le3A : vector<384x384xi1> to vector<384x384xi32>
      %convert_element_type3A_296 = arith.sitofp %convert_element_type3A_295 : vector<384x384xi32> to vector<384x384xf32>
      %dot_general3A_297 = arith.constant dense<0.000000e+00> : vector<384x1xf32>
      %dot_general3A_298 = tpu.matmul %convert_element_type3A_296, %convert_element_type3A_287, %dot_general3A_297 {dimension_numbers = #tpu.dot_dimension_numbers<[1], [0], [0], [1], [0, 0, 1, 1], [], []>, transpose_lhs_hint = false} : vector<384x384xf32>, vector<384x1xf32>, vector<384x1xf32> -> vector<384x1xf32>
      %sub3A = arith.constant 1.000000e+00 : f32
      %sub3A_299 = vector.broadcast %sub3A : f32 to vector<384x1xf32>
      %sub3A_300 = arith.subf %dot_general3A_298, %sub3A_299 : vector<384x1xf32>
      %mul3A_301 = arith.constant 1.500000e-01 : f32
      %mul3A_302 = arith.mulf %reduce_sum3A_292, %mul3A_301 : f32
      %floor3A = math.floor %mul3A_302 : f32
      %max3A = arith.constant 1.000000e+00 : f32
      %max3A_303 = arith.maximumf %floor3A, %max3A : f32
      %ge3A = vector.broadcast %max3A_303 : f32 to vector<384x1xf32>
      %ge3A_304 = arith.cmpf oge, %sub3A_300, %ge3A : vector<384x1xf32>
      %convert_element_type3A_305 = arith.extui %ge3A_304 : vector<384x1xi1> to vector<384x1xi32>
      %convert_element_type3A_306 = arith.sitofp %convert_element_type3A_305 : vector<384x1xi32> to vector<384x1xf32>
      %mul3A_307 = arith.mulf %convert_element_type3A_287, %convert_element_type3A_306 : vector<384x1xf32>
      %sub3A_308 = arith.subf %reduce_sum3A_292, %max3A_303 : f32
      %lt3A = vector.broadcast %sub3A_308 : f32 to vector<384x1xf32>
      %lt3A_309 = arith.cmpf olt, %sub3A_300, %lt3A : vector<384x1xf32>
      %convert_element_type3A_310 = arith.extui %lt3A_309 : vector<384x1xi1> to vector<384x1xi32>
      %convert_element_type3A_311 = arith.sitofp %convert_element_type3A_310 : vector<384x1xi32> to vector<384x1xf32>
      %mul3A_312 = arith.mulf %mul3A_307, %convert_element_type3A_311 : vector<384x1xf32>
      %iota3A_313 = tpu.iota {dimensions = array<i32: 0>} : vector<384x1xi32>
      %convert_element_type3A_314 = arith.sitofp %iota3A_313 : vector<384x1xi32> to vector<384x1xf32>
      %mul3A_315 = arith.mulf %mul3A_312, %convert_element_type3A_314 : vector<384x1xf32>
      %convert_element_type3A_316 = arith.truncf %mul3A_315 : vector<384x1xf32> to vector<384x1xbf16>
      %convert_element_type3A_317 = arith.extf %convert_element_type3A_316 : vector<384x1xbf16> to vector<384x1xf32>
      %convert_element_type3A_318 = arith.truncf %convert_element_type3A_314 : vector<384x1xf32> to vector<384x1xbf16>
      %convert_element_type3A_319 = arith.extf %convert_element_type3A_318 : vector<384x1xbf16> to vector<384x1xf32>
      %mul3A_320 = arith.mulf %convert_element_type3A_317, %convert_element_type3A_319 : vector<384x1xf32>
      %reduce_sum3A_321 = vector.shape_cast %mul3A_320 : vector<384x1xf32> to vector<1x384x1xf32>
      %reduce_sum3A_322 = arith.constant dense<0.000000e+00> : vector<1xf32>
      %reduce_sum3A_323 = vector.multi_reduction <add>, %reduce_sum3A_321, %reduce_sum3A_322 [1, 2] : vector<1x384x1xf32> to vector<1xf32>
      %reduce_sum3A_324 = vector.shape_cast %reduce_sum3A_323 : vector<1xf32> to vector<1x1x1xf32>
      %reduce_sum3A_325 = vector.extract %reduce_sum3A_324[0, 0, 0] : f32 from vector<1x1x1xf32>
      %reduce_sum3A_326 = vector.shape_cast %convert_element_type3A_317 : vector<384x1xf32> to vector<1x384x1xf32>
      %reduce_sum3A_327 = arith.constant dense<0.000000e+00> : vector<1xf32>
      %reduce_sum3A_328 = vector.multi_reduction <add>, %reduce_sum3A_326, %reduce_sum3A_327 [1, 2] : vector<1x384x1xf32> to vector<1xf32>
      %reduce_sum3A_329 = vector.shape_cast %reduce_sum3A_328 : vector<1xf32> to vector<1x1x1xf32>
      %reduce_sum3A_330 = vector.extract %reduce_sum3A_329[0, 0, 0] : f32 from vector<1x1x1xf32>
      %mul3A_331 = arith.mulf %mul3A_312, %convert_element_type3A_319 : vector<384x1xf32>
      %reduce_sum3A_332 = vector.shape_cast %mul3A_331 : vector<384x1xf32> to vector<1x384x1xf32>
      %reduce_sum3A_333 = arith.constant dense<0.000000e+00> : vector<1xf32>
      %reduce_sum3A_334 = vector.multi_reduction <add>, %reduce_sum3A_332, %reduce_sum3A_333 [1, 2] : vector<1x384x1xf32> to vector<1xf32>
      %reduce_sum3A_335 = vector.shape_cast %reduce_sum3A_334 : vector<1xf32> to vector<1x1x1xf32>
      %reduce_sum3A_336 = vector.extract %reduce_sum3A_335[0, 0, 0] : f32 from vector<1x1x1xf32>
      %reduce_sum3A_337 = vector.shape_cast %mul3A_312 : vector<384x1xf32> to vector<1x384x1xf32>
      %reduce_sum3A_338 = arith.constant dense<0.000000e+00> : vector<1xf32>
      %reduce_sum3A_339 = vector.multi_reduction <add>, %reduce_sum3A_337, %reduce_sum3A_338 [1, 2] : vector<1x384x1xf32> to vector<1xf32>
      %reduce_sum3A_340 = vector.shape_cast %reduce_sum3A_339 : vector<1xf32> to vector<1x1x1xf32>
      %reduce_sum3A_341 = vector.extract %reduce_sum3A_340[0, 0, 0] : f32 from vector<1x1x1xf32>
      %mul3A_342 = arith.mulf %reduce_sum3A_325, %reduce_sum3A_341 : f32
      %mul3A_343 = arith.mulf %reduce_sum3A_330, %reduce_sum3A_336 : f32
      %sub3A_344 = arith.subf %mul3A_342, %mul3A_343 : f32
      %gt3A_345 = arith.constant 0.000000e+00 : f32
      %gt3A_346 = arith.cmpf ogt, %sub3A_344, %gt3A_345 : f32
      %jit3A_347 = arith.constant 1.000000e+00 : f32
      %select_n3A_348 = arith.select %gt3A_346, %sub3A_344, %jit3A_347 : f32
      %div3A = arith.divf %reduce_sum3A_341, %select_n3A_348 : f32
      %neg3A = arith.constant 0.000000e+00 : f32
      %neg3A_349 = arith.subf %neg3A, %reduce_sum3A_336 : f32
      %div3A_350 = arith.divf %neg3A_349, %select_n3A_348 : f32
      %neg3A_351 = arith.constant 0.000000e+00 : f32
      %neg3A_352 = arith.subf %neg3A_351, %reduce_sum3A_330 : f32
      %div3A_353 = arith.divf %neg3A_352, %select_n3A_348 : f32
      %div3A_354 = arith.divf %reduce_sum3A_325, %select_n3A_348 : f32
      %convert_element_type3A_355 = arith.truncf %slice3A_279 : vector<384x1xf32> to vector<384x1xbf16>
      %convert_element_type3A_356 = arith.extf %convert_element_type3A_355 : vector<384x1xbf16> to vector<384x1xf32>
      %mul3A_357 = arith.mulf %convert_element_type3A_317, %convert_element_type3A_356 : vector<384x1xf32>
      %reduce_sum3A_358 = vector.shape_cast %mul3A_357 : vector<384x1xf32> to vector<1x384x1xf32>
      %reduce_sum3A_359 = arith.constant dense<0.000000e+00> : vector<1xf32>
      %reduce_sum3A_360 = vector.multi_reduction <add>, %reduce_sum3A_358, %reduce_sum3A_359 [1, 2] : vector<1x384x1xf32> to vector<1xf32>
      %reduce_sum3A_361 = vector.shape_cast %reduce_sum3A_360 : vector<1xf32> to vector<1x1x1xf32>
      %reduce_sum3A_362 = vector.extract %reduce_sum3A_361[0, 0, 0] : f32 from vector<1x1x1xf32>
      %mul3A_363 = arith.mulf %mul3A_312, %convert_element_type3A_356 : vector<384x1xf32>
      %reduce_sum3A_364 = vector.shape_cast %mul3A_363 : vector<384x1xf32> to vector<1x384x1xf32>
      %reduce_sum3A_365 = arith.constant dense<0.000000e+00> : vector<1xf32>
      %reduce_sum3A_366 = vector.multi_reduction <add>, %reduce_sum3A_364, %reduce_sum3A_365 [1, 2] : vector<1x384x1xf32> to vector<1xf32>
      %reduce_sum3A_367 = vector.shape_cast %reduce_sum3A_366 : vector<1xf32> to vector<1x1x1xf32>
      %reduce_sum3A_368 = vector.extract %reduce_sum3A_367[0, 0, 0] : f32 from vector<1x1x1xf32>
      %convert_element_type3A_369 = arith.truncf %div3A : f32 to bf16
      %convert_element_type3A_370 = arith.extf %convert_element_type3A_369 : bf16 to f32
      %convert_element_type3A_371 = arith.truncf %reduce_sum3A_362 : f32 to bf16
      %convert_element_type3A_372 = arith.extf %convert_element_type3A_371 : bf16 to f32
      %mul3A_373 = arith.mulf %convert_element_type3A_370, %convert_element_type3A_372 : f32
      %convert_element_type3A_374 = arith.truncf %div3A_350 : f32 to bf16
      %convert_element_type3A_375 = arith.extf %convert_element_type3A_374 : bf16 to f32
      %convert_element_type3A_376 = arith.truncf %reduce_sum3A_368 : f32 to bf16
      %convert_element_type3A_377 = arith.extf %convert_element_type3A_376 : bf16 to f32
      %mul3A_378 = arith.mulf %convert_element_type3A_375, %convert_element_type3A_377 : f32
      %add3A = arith.addf %mul3A_373, %mul3A_378 : f32
      %convert_element_type3A_379 = arith.truncf %div3A_353 : f32 to bf16
      %convert_element_type3A_380 = arith.extf %convert_element_type3A_379 : bf16 to f32
      %convert_element_type3A_381 = arith.truncf %reduce_sum3A_362 : f32 to bf16
      %convert_element_type3A_382 = arith.extf %convert_element_type3A_381 : bf16 to f32
      %mul3A_383 = arith.mulf %convert_element_type3A_380, %convert_element_type3A_382 : f32
      %convert_element_type3A_384 = arith.truncf %div3A_354 : f32 to bf16
      %convert_element_type3A_385 = arith.extf %convert_element_type3A_384 : bf16 to f32
      %convert_element_type3A_386 = arith.truncf %reduce_sum3A_368 : f32 to bf16
      %convert_element_type3A_387 = arith.extf %convert_element_type3A_386 : bf16 to f32
      %mul3A_388 = arith.mulf %convert_element_type3A_385, %convert_element_type3A_387 : f32
      %add3A_389 = arith.addf %mul3A_383, %mul3A_388 : f32
      %jit3A_390 = arith.constant 0.000000e+00 : f32
      %select_n3A_391 = arith.select %gt3A_346, %add3A, %jit3A_390 : f32
      %jit3A_392 = arith.constant 0.000000e+00 : f32
      %select_n3A_393 = arith.select %gt3A_346, %add3A_389, %jit3A_392 : f32
      %convert_element_type3A_394 = arith.truncf %slice3A_285 : vector<384x1xf32> to vector<384x1xbf16>
      %convert_element_type3A_395 = arith.extf %convert_element_type3A_394 : vector<384x1xbf16> to vector<384x1xf32>
      %mul3A_396 = arith.mulf %convert_element_type3A_317, %convert_element_type3A_395 : vector<384x1xf32>
      %reduce_sum3A_397 = vector.shape_cast %mul3A_396 : vector<384x1xf32> to vector<1x384x1xf32>
      %reduce_sum3A_398 = arith.constant dense<0.000000e+00> : vector<1xf32>
      %reduce_sum3A_399 = vector.multi_reduction <add>, %reduce_sum3A_397, %reduce_sum3A_398 [1, 2] : vector<1x384x1xf32> to vector<1xf32>
      %reduce_sum3A_400 = vector.shape_cast %reduce_sum3A_399 : vector<1xf32> to vector<1x1x1xf32>
      %reduce_sum3A_401 = vector.extract %reduce_sum3A_400[0, 0, 0] : f32 from vector<1x1x1xf32>
      %mul3A_402 = arith.mulf %mul3A_312, %convert_element_type3A_395 : vector<384x1xf32>
      %reduce_sum3A_403 = vector.shape_cast %mul3A_402 : vector<384x1xf32> to vector<1x384x1xf32>
      %reduce_sum3A_404 = arith.constant dense<0.000000e+00> : vector<1xf32>
      %reduce_sum3A_405 = vector.multi_reduction <add>, %reduce_sum3A_403, %reduce_sum3A_404 [1, 2] : vector<1x384x1xf32> to vector<1xf32>
      %reduce_sum3A_406 = vector.shape_cast %reduce_sum3A_405 : vector<1xf32> to vector<1x1x1xf32>
      %reduce_sum3A_407 = vector.extract %reduce_sum3A_406[0, 0, 0] : f32 from vector<1x1x1xf32>
      %convert_element_type3A_408 = arith.truncf %div3A : f32 to bf16
      %convert_element_type3A_409 = arith.extf %convert_element_type3A_408 : bf16 to f32
      %convert_element_type3A_410 = arith.truncf %reduce_sum3A_401 : f32 to bf16
      %convert_element_type3A_411 = arith.extf %convert_element_type3A_410 : bf16 to f32
      %mul3A_412 = arith.mulf %convert_element_type3A_409, %convert_element_type3A_411 : f32
      %convert_element_type3A_413 = arith.truncf %div3A_350 : f32 to bf16
      %convert_element_type3A_414 = arith.extf %convert_element_type3A_413 : bf16 to f32
      %convert_element_type3A_415 = arith.truncf %reduce_sum3A_407 : f32 to bf16
      %convert_element_type3A_416 = arith.extf %convert_element_type3A_415 : bf16 to f32
      %mul3A_417 = arith.mulf %convert_element_type3A_414, %convert_element_type3A_416 : f32
      %add3A_418 = arith.addf %mul3A_412, %mul3A_417 : f32
      %convert_element_type3A_419 = arith.truncf %div3A_353 : f32 to bf16
      %convert_element_type3A_420 = arith.extf %convert_element_type3A_419 : bf16 to f32
      %convert_element_type3A_421 = arith.truncf %reduce_sum3A_401 : f32 to bf16
      %convert_element_type3A_422 = arith.extf %convert_element_type3A_421 : bf16 to f32
      %mul3A_423 = arith.mulf %convert_element_type3A_420, %convert_element_type3A_422 : f32
      %convert_element_type3A_424 = arith.truncf %div3A_354 : f32 to bf16
      %convert_element_type3A_425 = arith.extf %convert_element_type3A_424 : bf16 to f32
      %convert_element_type3A_426 = arith.truncf %reduce_sum3A_407 : f32 to bf16
      %convert_element_type3A_427 = arith.extf %convert_element_type3A_426 : bf16 to f32
      %mul3A_428 = arith.mulf %convert_element_type3A_425, %convert_element_type3A_427 : f32
      %add3A_429 = arith.addf %mul3A_423, %mul3A_428 : f32
      %jit3A_430 = arith.constant 0.000000e+00 : f32
      %select_n3A_431 = arith.select %gt3A_346, %add3A_418, %jit3A_430 : f32
      %jit3A_432 = arith.constant 0.000000e+00 : f32
      %select_n3A_433 = arith.select %gt3A_346, %add3A_429, %jit3A_432 : f32
      %mul3A_434 = vector.broadcast %select_n3A_391 : f32 to vector<384x1xf32>
      %mul3A_435 = arith.mulf %convert_element_type3A_314, %mul3A_434 : vector<384x1xf32>
      %add3A_436 = vector.broadcast %select_n3A_393 : f32 to vector<384x1xf32>
      %add3A_437 = arith.addf %mul3A_435, %add3A_436 : vector<384x1xf32>
      %mul3A_438 = vector.broadcast %select_n3A_431 : f32 to vector<384x1xf32>
      %mul3A_439 = arith.mulf %convert_element_type3A_314, %mul3A_438 : vector<384x1xf32>
      %add3A_440 = vector.broadcast %select_n3A_433 : f32 to vector<384x1xf32>
      %add3A_441 = arith.addf %mul3A_439, %add3A_440 : vector<384x1xf32>
      %sub3A_442 = arith.subf %add3A_441, %add3A_437 : vector<384x1xf32>
      %max3A_443 = arith.constant 1.000000e+00 : f32
      %max3A_444 = vector.broadcast %max3A_443 : f32 to vector<384x1xf32>
      %max3A_445 = arith.maximumf %sub3A_442, %max3A_444 : vector<384x1xf32>
      %div3A_446 = arith.constant 3.250000e+00 : f32
      %div3A_447 = vector.broadcast %div3A_446 : f32 to vector<384x1xf32>
      %div3A_448 = arith.divf %div3A_447, %max3A_445 : vector<384x1xf32>
      %broadcast_in_dim3A_449 = vector.shape_cast %div3A_448 : vector<384x1xf32> to vector<384x1xf32>
      %broadcast_in_dim3A_450 = vector.broadcast %broadcast_in_dim3A_449 : vector<384x1xf32> to vector<384x128xf32>
      %swap3A_451 = arith.constant 0 : index
      %swap3A_452 = arith.constant 0 : index
      %swap3A_453 = vector.load %arg5[%swap3A_451, %swap3A_452] : memref<384x128xf32, #tpu.memory_space<vmem>>, vector<384x128xf32>
      tpu.vector_store %arg5[%swap3A_451, %swap3A_452], %broadcast_in_dim3A_450 {strides = array<i32>} : memref<384x128xf32, #tpu.memory_space<vmem>>, vector<384x128xf32>,
      %mul3A_454 = arith.mulf %div3A_448, %div3A_448 : vector<384x1xf32>
      %broadcast_in_dim3A_455 = vector.shape_cast %mul3A_454 : vector<384x1xf32> to vector<384x1xf32>
      %broadcast_in_dim3A_456 = vector.broadcast %broadcast_in_dim3A_455 : vector<384x1xf32> to vector<384x128xf32>
      %swap3A_457 = arith.constant 0 : index
      %swap3A_458 = arith.constant 0 : index
      %swap3A_459 = vector.load %arg6[%swap3A_457, %swap3A_458] : memref<384x128xf32, #tpu.memory_space<vmem>>, vector<384x128xf32>
      tpu.vector_store %arg6[%swap3A_457, %swap3A_458], %broadcast_in_dim3A_456 {strides = array<i32>} : memref<384x128xf32, #tpu.memory_space<vmem>>, vector<384x128xf32>,
      %iota3A_460 = tpu.iota {dimensions = array<i32: 0>} : vector<384x384xi32>
      %iota3A_461 = tpu.iota {dimensions = array<i32: 1>} : vector<384x384xi32>
      %eq3A_462 = arith.cmpi eq, %iota3A_460, %iota3A_461 : vector<384x384xi32>
      %convert_element_type3A_463 = arith.extui %eq3A_462 : vector<384x384xi1> to vector<384x384xi32>
      %convert_element_type3A_464 = arith.sitofp %convert_element_type3A_463 : vector<384x384xi32> to vector<384x384xf32>
      %dot_general3A_465 = arith.constant dense<0.000000e+00> : vector<1x384xf32>
      %dot_general3A_466 = tpu.matmul %div3A_448, %convert_element_type3A_464, %dot_general3A_465 {dimension_numbers = #tpu.dot_dimension_numbers<[0], [0], [1], [1], [0, 1, 1, 1], [], []>, transpose_lhs_hint = false} : vector<384x1xf32>, vector<384x384xf32>, vector<1x384xf32> -> vector<1x384xf32>
      %broadcast_in_dim3A_467 = vector.shape_cast %dot_general3A_466 : vector<1x384xf32> to vector<1x384xf32>
      %broadcast_in_dim3A_468 = vector.broadcast %broadcast_in_dim3A_467 : vector<1x384xf32> to vector<8x384xf32>
      %swap3A_469 = arith.constant 0 : index
      %swap3A_470 = arith.constant 0 : index
      %swap3A_471 = vector.load %arg7[%swap3A_469, %swap3A_470] : memref<8x384xf32, #tpu.memory_space<vmem>>, vector<8x384xf32>
      tpu.vector_store %arg7[%swap3A_469, %swap3A_470], %broadcast_in_dim3A_468 {strides = array<i32>} : memref<8x384xf32, #tpu.memory_space<vmem>>, vector<8x384xf32>,
    } else {
    }
    %get3A = arith.constant 0 : index
    %get3A_2 = arith.constant 0 : index
    %get3A_3 = vector.load %arg5[%get3A, %get3A_2] : memref<384x128xf32, #tpu.memory_space<vmem>>, vector<384x1xf32>
    %get3A_4 = arith.constant 0 : index
    %get3A_5 = arith.constant 0 : index
    %get3A_6 = vector.load %arg6[%get3A_4, %get3A_5] : memref<384x128xf32, #tpu.memory_space<vmem>>, vector<384x1xf32>
    %broadcast_in_dim3A = arith.constant 1.000000e+00 : bf16
    %broadcast_in_dim3A_7 = vector.broadcast %broadcast_in_dim3A : bf16 to vector<384x1xbf16>
    %iota3A = tpu.iota {dimensions = array<i32: 1>} : vector<1x128xi32>
    %get3A_8 = arith.constant 0 : index
    %get3A_9 = arith.constant 0 : index
    %get3A_10 = arith.constant 0 : index
    %get3A_11 = arith.constant 0 : index
    %get3A_12 = vector.load %arg3[%get3A_8, %get3A_9, %get3A_10, %get3A_11] : memref<1x8x384x384xf32, #tpu.memory_space<vmem>>, vector<1x8x384x384xf32>
    %get3A_13 = vector.shape_cast %get3A_12 : vector<1x8x384x384xf32> to vector<8x384x384xf32>
    %reshape3A = vector.shape_cast %get3A_13 : vector<8x384x384xf32> to vector<3072x384xf32>
    %convert_element_type3A_14 = arith.truncf %reshape3A : vector<3072x384xf32> to vector<3072x384xbf16>
    %dot_general3A = arith.constant dense<0.000000e+00> : vector<3072x1xf32>
    %dot_general3A_15 = tpu.matmul %convert_element_type3A_14, %broadcast_in_dim3A_7, %dot_general3A {dimension_numbers = #tpu.dot_dimension_numbers<[1], [0], [0], [1], [0, 0, 1, 1], [], []>, transpose_lhs_hint = false} : vector<3072x384xbf16>, vector<384x1xbf16>, vector<3072x1xf32> -> vector<3072x1xf32>
    %reduce_max3A = arith.constant dense<0xFF800000> : vector<3072xf32>
    %reduce_max3A_16 = vector.multi_reduction <maximumf>, %reshape3A, %reduce_max3A [1] : vector<3072x384xf32> to vector<3072xf32>
    %broadcast_in_dim3A_17 = vector.shape_cast %reduce_max3A_16 : vector<3072xf32> to vector<3072x1xf32>
    %reshape3A_18 = vector.shape_cast %dot_general3A_15 : vector<3072x1xf32> to vector<8x384x1xf32>
    %gt3A = arith.constant 5.000000e-01 : f32
    %gt3A_19 = vector.broadcast %gt3A : f32 to vector<3072x1xf32>
    %gt3A_20 = arith.cmpf ogt, %broadcast_in_dim3A_17, %gt3A_19 : vector<3072x1xf32>
    %jit3A = arith.constant 1.000000e+00 : f32
    %jit3A_21 = arith.constant 0.000000e+00 : f32
    %broadcast_in_dim3A_22 = vector.broadcast %jit3A : f32 to vector<3072x1xf32>
    %broadcast_in_dim3A_23 = vector.broadcast %jit3A_21 : f32 to vector<3072x1xf32>
    %select_n3A = arith.select %gt3A_20, %broadcast_in_dim3A_22, %broadcast_in_dim3A_23 : vector<3072x1xi1>, vector<3072x1xf32>
    %reshape3A_24 = vector.shape_cast %select_n3A : vector<3072x1xf32> to vector<8x384x1xf32>
    %broadcast_in_dim3A_25 = vector.shape_cast %get3A_6 : vector<384x1xf32> to vector<1x384x1xf32>
    %mul3A = vector.broadcast %broadcast_in_dim3A_25 : vector<1x384x1xf32> to vector<8x384x1xf32>
    %mul3A_26 = arith.mulf %mul3A, %reshape3A_18 : vector<8x384x1xf32>
    %reduce_sum3A = arith.constant dense<0.000000e+00> : vector<8x1xf32>
    %reduce_sum3A_27 = vector.multi_reduction <add>, %mul3A_26, %reduce_sum3A [1] : vector<8x384x1xf32> to vector<8x1xf32>
    %broadcast_in_dim3A_28 = vector.shape_cast %get3A_3 : vector<384x1xf32> to vector<1x384x1xf32>
    %mul3A_29 = vector.broadcast %broadcast_in_dim3A_28 : vector<1x384x1xf32> to vector<8x384x1xf32>
    %mul3A_30 = arith.mulf %mul3A_29, %reshape3A_24 : vector<8x384x1xf32>
    %reduce_sum3A_31 = arith.constant dense<0.000000e+00> : vector<8x1xf32>
    %reduce_sum3A_32 = vector.multi_reduction <add>, %mul3A_30, %reduce_sum3A_31 [1] : vector<8x384x1xf32> to vector<8x1xf32>
    %get3A_33 = arith.constant 0 : index
    %get3A_34 = arith.constant 0 : index
    %get3A_35 = vector.load %arg7[%get3A_33, %get3A_34] : memref<8x384xf32, #tpu.memory_space<vmem>>, vector<1x384xf32>
    %convert_element_type3A_36 = arith.truncf %get3A_35 : vector<1x384xf32> to vector<1x384xbf16>
    %slice3A = vector.extract_strided_slice %convert_element_type3A_14 {offsets = [0, 0], sizes = [384, 384], strides = [1, 1]} : vector<3072x384xbf16> to vector<384x384xbf16>
    %dot_general3A_37 = arith.constant dense<0.000000e+00> : vector<1x384xf32>
    %dot_general3A_38 = tpu.matmul %convert_element_type3A_36, %slice3A, %dot_general3A_37 {dimension_numbers = #tpu.dot_dimension_numbers<[1], [0], [0], [1], [0, 0, 1, 1], [], []>, transpose_lhs_hint = false} : vector<1x384xbf16>, vector<384x384xbf16>, vector<1x384xf32> -> vector<1x384xf32>
    %reduce_max3A_39 = vector.shape_cast %dot_general3A_38 : vector<1x384xf32> to vector<1x1x384xf32>
    %reduce_max3A_40 = arith.constant dense<0xFF800000> : vector<1xf32>
    %reduce_max3A_41 = vector.multi_reduction <maximumf>, %reduce_max3A_39, %reduce_max3A_40 [1, 2] : vector<1x1x384xf32> to vector<1xf32>
    %reduce_max3A_42 = vector.shape_cast %reduce_max3A_41 : vector<1xf32> to vector<1x1x1xf32>
    %reduce_max3A_43 = vector.extract %reduce_max3A_42[0, 0, 0] : f32 from vector<1x1x1xf32>
    %eq3A_44 = arith.constant 0 : i32
    %eq3A_45 = vector.broadcast %eq3A_44 : i32 to vector<1x128xi32>
    %eq3A_46 = arith.cmpi eq, %iota3A, %eq3A_45 : vector<1x128xi32>
    %slice3A_47 = vector.extract_strided_slice %reduce_sum3A_27 {offsets = [0, 0], sizes = [1, 1], strides = [1, 1]} : vector<8x1xf32> to vector<1x1xf32>
    %squeeze3A = vector.extract %slice3A_47[0, 0] : f32 from vector<1x1xf32>
    %eq3A_48 = arith.constant 1 : i32
    %eq3A_49 = vector.broadcast %eq3A_48 : i32 to vector<1x128xi32>
    %eq3A_50 = arith.cmpi eq, %iota3A, %eq3A_49 : vector<1x128xi32>
    %slice3A_51 = vector.extract_strided_slice %reduce_sum3A_32 {offsets = [0, 0], sizes = [1, 1], strides = [1, 1]} : vector<8x1xf32> to vector<1x1xf32>
    %squeeze3A_52 = vector.extract %slice3A_51[0, 0] : f32 from vector<1x1xf32>
    %broadcast_in_dim3A_53 = vector.broadcast %reduce_max3A_43 : f32 to vector<1x128xf32>
    %broadcast_in_dim3A_54 = vector.broadcast %squeeze3A_52 : f32 to vector<1x128xf32>
    %select_n3A_55 = arith.select %eq3A_50, %broadcast_in_dim3A_53, %broadcast_in_dim3A_54 : vector<1x128xi1>, vector<1x128xf32>
    %broadcast_in_dim3A_56 = vector.broadcast %squeeze3A : f32 to vector<1x128xf32>
    %select_n3A_57 = arith.select %eq3A_46, %broadcast_in_dim3A_56, %select_n3A_55 : vector<1x128xi1>, vector<1x128xf32>
    %swap3A = arith.constant 0 : index
    %swap3A_58 = arith.constant 0 : index
    %swap3A_59 = arith.constant 0 : index
    %swap3A_60 = arith.constant 0 : index
    %swap3A_61 = vector.load %arg4[%swap3A, %swap3A_58, %swap3A_59, %swap3A_60] : memref<1x8x1x128xf32, #tpu.memory_space<vmem>>, vector<1x1x1x128xf32>
    %swap3A_62 = vector.shape_cast %swap3A_61 : vector<1x1x1x128xf32> to vector<1x128xf32>
    %swap3A_63 = vector.shape_cast %select_n3A_57 : vector<1x128xf32> to vector<1x1x1x128xf32>
    tpu.vector_store %arg4[%swap3A, %swap3A_58, %swap3A_59, %swap3A_60], %swap3A_63 {strides = array<i32>} : memref<1x8x1x128xf32, #tpu.memory_space<vmem>>, vector<1x1x1x128xf32>,
    %slice3A_64 = vector.extract_strided_slice %convert_element_type3A_14 {offsets = [384, 0], sizes = [384, 384], strides = [1, 1]} : vector<3072x384xbf16> to vector<384x384xbf16>
    %dot_general3A_65 = arith.constant dense<0.000000e+00> : vector<1x384xf32>
    %dot_general3A_66 = tpu.matmul %convert_element_type3A_36, %slice3A_64, %dot_general3A_65 {dimension_numbers = #tpu.dot_dimension_numbers<[1], [0], [0], [1], [0, 0, 1, 1], [], []>, transpose_lhs_hint = false} : vector<1x384xbf16>, vector<384x384xbf16>, vector<1x384xf32> -> vector<1x384xf32>
    %reduce_max3A_67 = vector.shape_cast %dot_general3A_66 : vector<1x384xf32> to vector<1x1x384xf32>
    %reduce_max3A_68 = arith.constant dense<0xFF800000> : vector<1xf32>
    %reduce_max3A_69 = vector.multi_reduction <maximumf>, %reduce_max3A_67, %reduce_max3A_68 [1, 2] : vector<1x1x384xf32> to vector<1xf32>
    %reduce_max3A_70 = vector.shape_cast %reduce_max3A_69 : vector<1xf32> to vector<1x1x1xf32>
    %reduce_max3A_71 = vector.extract %reduce_max3A_70[0, 0, 0] : f32 from vector<1x1x1xf32>
    %eq3A_72 = arith.constant 0 : i32
    %eq3A_73 = vector.broadcast %eq3A_72 : i32 to vector<1x128xi32>
    %eq3A_74 = arith.cmpi eq, %iota3A, %eq3A_73 : vector<1x128xi32>
    %slice3A_75 = vector.extract_strided_slice %reduce_sum3A_27 {offsets = [1, 0], sizes = [1, 1], strides = [1, 1]} : vector<8x1xf32> to vector<1x1xf32>
    %squeeze3A_76 = vector.extract %slice3A_75[0, 0] : f32 from vector<1x1xf32>
    %eq3A_77 = arith.constant 1 : i32
    %eq3A_78 = vector.broadcast %eq3A_77 : i32 to vector<1x128xi32>
    %eq3A_79 = arith.cmpi eq, %iota3A, %eq3A_78 : vector<1x128xi32>
    %slice3A_80 = vector.extract_strided_slice %reduce_sum3A_32 {offsets = [1, 0], sizes = [1, 1], strides = [1, 1]} : vector<8x1xf32> to vector<1x1xf32>
    %squeeze3A_81 = vector.extract %slice3A_80[0, 0] : f32 from vector<1x1xf32>
    %broadcast_in_dim3A_82 = vector.broadcast %reduce_max3A_71 : f32 to vector<1x128xf32>
    %broadcast_in_dim3A_83 = vector.broadcast %squeeze3A_81 : f32 to vector<1x128xf32>
    %select_n3A_84 = arith.select %eq3A_79, %broadcast_in_dim3A_82, %broadcast_in_dim3A_83 : vector<1x128xi1>, vector<1x128xf32>
    %broadcast_in_dim3A_85 = vector.broadcast %squeeze3A_76 : f32 to vector<1x128xf32>
    %select_n3A_86 = arith.select %eq3A_74, %broadcast_in_dim3A_85, %select_n3A_84 : vector<1x128xi1>, vector<1x128xf32>
    %swap3A_87 = arith.constant 0 : index
    %swap3A_88 = arith.constant 1 : index
    %swap3A_89 = arith.constant 0 : index
    %swap3A_90 = arith.constant 0 : index
    %swap3A_91 = vector.load %arg4[%swap3A_87, %swap3A_88, %swap3A_89, %swap3A_90] : memref<1x8x1x128xf32, #tpu.memory_space<vmem>>, vector<1x1x1x128xf32>
    %swap3A_92 = vector.shape_cast %swap3A_91 : vector<1x1x1x128xf32> to vector<1x128xf32>
    %swap3A_93 = vector.shape_cast %select_n3A_86 : vector<1x128xf32> to vector<1x1x1x128xf32>
    tpu.vector_store %arg4[%swap3A_87, %swap3A_88, %swap3A_89, %swap3A_90], %swap3A_93 {strides = array<i32>} : memref<1x8x1x128xf32, #tpu.memory_space<vmem>>, vector<1x1x1x128xf32>,
    %slice3A_94 = vector.extract_strided_slice %convert_element_type3A_14 {offsets = [768, 0], sizes = [384, 384], strides = [1, 1]} : vector<3072x384xbf16> to vector<384x384xbf16>
    %dot_general3A_95 = arith.constant dense<0.000000e+00> : vector<1x384xf32>
    %dot_general3A_96 = tpu.matmul %convert_element_type3A_36, %slice3A_94, %dot_general3A_95 {dimension_numbers = #tpu.dot_dimension_numbers<[1], [0], [0], [1], [0, 0, 1, 1], [], []>, transpose_lhs_hint = false} : vector<1x384xbf16>, vector<384x384xbf16>, vector<1x384xf32> -> vector<1x384xf32>
    %reduce_max3A_97 = vector.shape_cast %dot_general3A_96 : vector<1x384xf32> to vector<1x1x384xf32>
    %reduce_max3A_98 = arith.constant dense<0xFF800000> : vector<1xf32>
    %reduce_max3A_99 = vector.multi_reduction <maximumf>, %reduce_max3A_97, %reduce_max3A_98 [1, 2] : vector<1x1x384xf32> to vector<1xf32>
    %reduce_max3A_100 = vector.shape_cast %reduce_max3A_99 : vector<1xf32> to vector<1x1x1xf32>
    %reduce_max3A_101 = vector.extract %reduce_max3A_100[0, 0, 0] : f32 from vector<1x1x1xf32>
    %eq3A_102 = arith.constant 0 : i32
    %eq3A_103 = vector.broadcast %eq3A_102 : i32 to vector<1x128xi32>
    %eq3A_104 = arith.cmpi eq, %iota3A, %eq3A_103 : vector<1x128xi32>
    %slice3A_105 = vector.extract_strided_slice %reduce_sum3A_27 {offsets = [2, 0], sizes = [1, 1], strides = [1, 1]} : vector<8x1xf32> to vector<1x1xf32>
    %squeeze3A_106 = vector.extract %slice3A_105[0, 0] : f32 from vector<1x1xf32>
    %eq3A_107 = arith.constant 1 : i32
    %eq3A_108 = vector.broadcast %eq3A_107 : i32 to vector<1x128xi32>
    %eq3A_109 = arith.cmpi eq, %iota3A, %eq3A_108 : vector<1x128xi32>
    %slice3A_110 = vector.extract_strided_slice %reduce_sum3A_32 {offsets = [2, 0], sizes = [1, 1], strides = [1, 1]} : vector<8x1xf32> to vector<1x1xf32>
    %squeeze3A_111 = vector.extract %slice3A_110[0, 0] : f32 from vector<1x1xf32>
    %broadcast_in_dim3A_112 = vector.broadcast %reduce_max3A_101 : f32 to vector<1x128xf32>
    %broadcast_in_dim3A_113 = vector.broadcast %squeeze3A_111 : f32 to vector<1x128xf32>
    %select_n3A_114 = arith.select %eq3A_109, %broadcast_in_dim3A_112, %broadcast_in_dim3A_113 : vector<1x128xi1>, vector<1x128xf32>
    %broadcast_in_dim3A_115 = vector.broadcast %squeeze3A_106 : f32 to vector<1x128xf32>
    %select_n3A_116 = arith.select %eq3A_104, %broadcast_in_dim3A_115, %select_n3A_114 : vector<1x128xi1>, vector<1x128xf32>
    %swap3A_117 = arith.constant 0 : index
    %swap3A_118 = arith.constant 2 : index
    %swap3A_119 = arith.constant 0 : index
    %swap3A_120 = arith.constant 0 : index
    %swap3A_121 = vector.load %arg4[%swap3A_117, %swap3A_118, %swap3A_119, %swap3A_120] : memref<1x8x1x128xf32, #tpu.memory_space<vmem>>, vector<1x1x1x128xf32>
    %swap3A_122 = vector.shape_cast %swap3A_121 : vector<1x1x1x128xf32> to vector<1x128xf32>
    %swap3A_123 = vector.shape_cast %select_n3A_116 : vector<1x128xf32> to vector<1x1x1x128xf32>
    tpu.vector_store %arg4[%swap3A_117, %swap3A_118, %swap3A_119, %swap3A_120], %swap3A_123 {strides = array<i32>} : memref<1x8x1x128xf32, #tpu.memory_space<vmem>>, vector<1x1x1x128xf32>,
    %slice3A_124 = vector.extract_strided_slice %convert_element_type3A_14 {offsets = [1152, 0], sizes = [384, 384], strides = [1, 1]} : vector<3072x384xbf16> to vector<384x384xbf16>
    %dot_general3A_125 = arith.constant dense<0.000000e+00> : vector<1x384xf32>
    %dot_general3A_126 = tpu.matmul %convert_element_type3A_36, %slice3A_124, %dot_general3A_125 {dimension_numbers = #tpu.dot_dimension_numbers<[1], [0], [0], [1], [0, 0, 1, 1], [], []>, transpose_lhs_hint = false} : vector<1x384xbf16>, vector<384x384xbf16>, vector<1x384xf32> -> vector<1x384xf32>
    %reduce_max3A_127 = vector.shape_cast %dot_general3A_126 : vector<1x384xf32> to vector<1x1x384xf32>
    %reduce_max3A_128 = arith.constant dense<0xFF800000> : vector<1xf32>
    %reduce_max3A_129 = vector.multi_reduction <maximumf>, %reduce_max3A_127, %reduce_max3A_128 [1, 2] : vector<1x1x384xf32> to vector<1xf32>
    %reduce_max3A_130 = vector.shape_cast %reduce_max3A_129 : vector<1xf32> to vector<1x1x1xf32>
    %reduce_max3A_131 = vector.extract %reduce_max3A_130[0, 0, 0] : f32 from vector<1x1x1xf32>
    %eq3A_132 = arith.constant 0 : i32
    %eq3A_133 = vector.broadcast %eq3A_132 : i32 to vector<1x128xi32>
    %eq3A_134 = arith.cmpi eq, %iota3A, %eq3A_133 : vector<1x128xi32>
    %slice3A_135 = vector.extract_strided_slice %reduce_sum3A_27 {offsets = [3, 0], sizes = [1, 1], strides = [1, 1]} : vector<8x1xf32> to vector<1x1xf32>
    %squeeze3A_136 = vector.extract %slice3A_135[0, 0] : f32 from vector<1x1xf32>
    %eq3A_137 = arith.constant 1 : i32
    %eq3A_138 = vector.broadcast %eq3A_137 : i32 to vector<1x128xi32>
    %eq3A_139 = arith.cmpi eq, %iota3A, %eq3A_138 : vector<1x128xi32>
    %slice3A_140 = vector.extract_strided_slice %reduce_sum3A_32 {offsets = [3, 0], sizes = [1, 1], strides = [1, 1]} : vector<8x1xf32> to vector<1x1xf32>
    %squeeze3A_141 = vector.extract %slice3A_140[0, 0] : f32 from vector<1x1xf32>
    %broadcast_in_dim3A_142 = vector.broadcast %reduce_max3A_131 : f32 to vector<1x128xf32>
    %broadcast_in_dim3A_143 = vector.broadcast %squeeze3A_141 : f32 to vector<1x128xf32>
    %select_n3A_144 = arith.select %eq3A_139, %broadcast_in_dim3A_142, %broadcast_in_dim3A_143 : vector<1x128xi1>, vector<1x128xf32>
    %broadcast_in_dim3A_145 = vector.broadcast %squeeze3A_136 : f32 to vector<1x128xf32>
    %select_n3A_146 = arith.select %eq3A_134, %broadcast_in_dim3A_145, %select_n3A_144 : vector<1x128xi1>, vector<1x128xf32>
    %swap3A_147 = arith.constant 0 : index
    %swap3A_148 = arith.constant 3 : index
    %swap3A_149 = arith.constant 0 : index
    %swap3A_150 = arith.constant 0 : index
    %swap3A_151 = vector.load %arg4[%swap3A_147, %swap3A_148, %swap3A_149, %swap3A_150] : memref<1x8x1x128xf32, #tpu.memory_space<vmem>>, vector<1x1x1x128xf32>
    %swap3A_152 = vector.shape_cast %swap3A_151 : vector<1x1x1x128xf32> to vector<1x128xf32>
    %swap3A_153 = vector.shape_cast %select_n3A_146 : vector<1x128xf32> to vector<1x1x1x128xf32>
    tpu.vector_store %arg4[%swap3A_147, %swap3A_148, %swap3A_149, %swap3A_150], %swap3A_153 {strides = array<i32>} : memref<1x8x1x128xf32, #tpu.memory_space<vmem>>, vector<1x1x1x128xf32>,
    %slice3A_154 = vector.extract_strided_slice %convert_element_type3A_14 {offsets = [1536, 0], sizes = [384, 384], strides = [1, 1]} : vector<3072x384xbf16> to vector<384x384xbf16>
    %dot_general3A_155 = arith.constant dense<0.000000e+00> : vector<1x384xf32>
    %dot_general3A_156 = tpu.matmul %convert_element_type3A_36, %slice3A_154, %dot_general3A_155 {dimension_numbers = #tpu.dot_dimension_numbers<[1], [0], [0], [1], [0, 0, 1, 1], [], []>, transpose_lhs_hint = false} : vector<1x384xbf16>, vector<384x384xbf16>, vector<1x384xf32> -> vector<1x384xf32>
    %reduce_max3A_157 = vector.shape_cast %dot_general3A_156 : vector<1x384xf32> to vector<1x1x384xf32>
    %reduce_max3A_158 = arith.constant dense<0xFF800000> : vector<1xf32>
    %reduce_max3A_159 = vector.multi_reduction <maximumf>, %reduce_max3A_157, %reduce_max3A_158 [1, 2] : vector<1x1x384xf32> to vector<1xf32>
    %reduce_max3A_160 = vector.shape_cast %reduce_max3A_159 : vector<1xf32> to vector<1x1x1xf32>
    %reduce_max3A_161 = vector.extract %reduce_max3A_160[0, 0, 0] : f32 from vector<1x1x1xf32>
    %eq3A_162 = arith.constant 0 : i32
    %eq3A_163 = vector.broadcast %eq3A_162 : i32 to vector<1x128xi32>
    %eq3A_164 = arith.cmpi eq, %iota3A, %eq3A_163 : vector<1x128xi32>
    %slice3A_165 = vector.extract_strided_slice %reduce_sum3A_27 {offsets = [4, 0], sizes = [1, 1], strides = [1, 1]} : vector<8x1xf32> to vector<1x1xf32>
    %squeeze3A_166 = vector.extract %slice3A_165[0, 0] : f32 from vector<1x1xf32>
    %eq3A_167 = arith.constant 1 : i32
    %eq3A_168 = vector.broadcast %eq3A_167 : i32 to vector<1x128xi32>
    %eq3A_169 = arith.cmpi eq, %iota3A, %eq3A_168 : vector<1x128xi32>
    %slice3A_170 = vector.extract_strided_slice %reduce_sum3A_32 {offsets = [4, 0], sizes = [1, 1], strides = [1, 1]} : vector<8x1xf32> to vector<1x1xf32>
    %squeeze3A_171 = vector.extract %slice3A_170[0, 0] : f32 from vector<1x1xf32>
    %broadcast_in_dim3A_172 = vector.broadcast %reduce_max3A_161 : f32 to vector<1x128xf32>
    %broadcast_in_dim3A_173 = vector.broadcast %squeeze3A_171 : f32 to vector<1x128xf32>
    %select_n3A_174 = arith.select %eq3A_169, %broadcast_in_dim3A_172, %broadcast_in_dim3A_173 : vector<1x128xi1>, vector<1x128xf32>
    %broadcast_in_dim3A_175 = vector.broadcast %squeeze3A_166 : f32 to vector<1x128xf32>
    %select_n3A_176 = arith.select %eq3A_164, %broadcast_in_dim3A_175, %select_n3A_174 : vector<1x128xi1>, vector<1x128xf32>
    %swap3A_177 = arith.constant 0 : index
    %swap3A_178 = arith.constant 4 : index
    %swap3A_179 = arith.constant 0 : index
    %swap3A_180 = arith.constant 0 : index
    %swap3A_181 = vector.load %arg4[%swap3A_177, %swap3A_178, %swap3A_179, %swap3A_180] : memref<1x8x1x128xf32, #tpu.memory_space<vmem>>, vector<1x1x1x128xf32>
    %swap3A_182 = vector.shape_cast %swap3A_181 : vector<1x1x1x128xf32> to vector<1x128xf32>
    %swap3A_183 = vector.shape_cast %select_n3A_176 : vector<1x128xf32> to vector<1x1x1x128xf32>
    tpu.vector_store %arg4[%swap3A_177, %swap3A_178, %swap3A_179, %swap3A_180], %swap3A_183 {strides = array<i32>} : memref<1x8x1x128xf32, #tpu.memory_space<vmem>>, vector<1x1x1x128xf32>,
    %slice3A_184 = vector.extract_strided_slice %convert_element_type3A_14 {offsets = [1920, 0], sizes = [384, 384], strides = [1, 1]} : vector<3072x384xbf16> to vector<384x384xbf16>
    %dot_general3A_185 = arith.constant dense<0.000000e+00> : vector<1x384xf32>
    %dot_general3A_186 = tpu.matmul %convert_element_type3A_36, %slice3A_184, %dot_general3A_185 {dimension_numbers = #tpu.dot_dimension_numbers<[1], [0], [0], [1], [0, 0, 1, 1], [], []>, transpose_lhs_hint = false} : vector<1x384xbf16>, vector<384x384xbf16>, vector<1x384xf32> -> vector<1x384xf32>
    %reduce_max3A_187 = vector.shape_cast %dot_general3A_186 : vector<1x384xf32> to vector<1x1x384xf32>
    %reduce_max3A_188 = arith.constant dense<0xFF800000> : vector<1xf32>
    %reduce_max3A_189 = vector.multi_reduction <maximumf>, %reduce_max3A_187, %reduce_max3A_188 [1, 2] : vector<1x1x384xf32> to vector<1xf32>
    %reduce_max3A_190 = vector.shape_cast %reduce_max3A_189 : vector<1xf32> to vector<1x1x1xf32>
    %reduce_max3A_191 = vector.extract %reduce_max3A_190[0, 0, 0] : f32 from vector<1x1x1xf32>
    %eq3A_192 = arith.constant 0 : i32
    %eq3A_193 = vector.broadcast %eq3A_192 : i32 to vector<1x128xi32>
    %eq3A_194 = arith.cmpi eq, %iota3A, %eq3A_193 : vector<1x128xi32>
    %slice3A_195 = vector.extract_strided_slice %reduce_sum3A_27 {offsets = [5, 0], sizes = [1, 1], strides = [1, 1]} : vector<8x1xf32> to vector<1x1xf32>
    %squeeze3A_196 = vector.extract %slice3A_195[0, 0] : f32 from vector<1x1xf32>
    %eq3A_197 = arith.constant 1 : i32
    %eq3A_198 = vector.broadcast %eq3A_197 : i32 to vector<1x128xi32>
    %eq3A_199 = arith.cmpi eq, %iota3A, %eq3A_198 : vector<1x128xi32>
    %slice3A_200 = vector.extract_strided_slice %reduce_sum3A_32 {offsets = [5, 0], sizes = [1, 1], strides = [1, 1]} : vector<8x1xf32> to vector<1x1xf32>
    %squeeze3A_201 = vector.extract %slice3A_200[0, 0] : f32 from vector<1x1xf32>
    %broadcast_in_dim3A_202 = vector.broadcast %reduce_max3A_191 : f32 to vector<1x128xf32>
    %broadcast_in_dim3A_203 = vector.broadcast %squeeze3A_201 : f32 to vector<1x128xf32>
    %select_n3A_204 = arith.select %eq3A_199, %broadcast_in_dim3A_202, %broadcast_in_dim3A_203 : vector<1x128xi1>, vector<1x128xf32>
    %broadcast_in_dim3A_205 = vector.broadcast %squeeze3A_196 : f32 to vector<1x128xf32>
    %select_n3A_206 = arith.select %eq3A_194, %broadcast_in_dim3A_205, %select_n3A_204 : vector<1x128xi1>, vector<1x128xf32>
    %swap3A_207 = arith.constant 0 : index
    %swap3A_208 = arith.constant 5 : index
    %swap3A_209 = arith.constant 0 : index
    %swap3A_210 = arith.constant 0 : index
    %swap3A_211 = vector.load %arg4[%swap3A_207, %swap3A_208, %swap3A_209, %swap3A_210] : memref<1x8x1x128xf32, #tpu.memory_space<vmem>>, vector<1x1x1x128xf32>
    %swap3A_212 = vector.shape_cast %swap3A_211 : vector<1x1x1x128xf32> to vector<1x128xf32>
    %swap3A_213 = vector.shape_cast %select_n3A_206 : vector<1x128xf32> to vector<1x1x1x128xf32>
    tpu.vector_store %arg4[%swap3A_207, %swap3A_208, %swap3A_209, %swap3A_210], %swap3A_213 {strides = array<i32>} : memref<1x8x1x128xf32, #tpu.memory_space<vmem>>, vector<1x1x1x128xf32>,
    %slice3A_214 = vector.extract_strided_slice %convert_element_type3A_14 {offsets = [2304, 0], sizes = [384, 384], strides = [1, 1]} : vector<3072x384xbf16> to vector<384x384xbf16>
    %dot_general3A_215 = arith.constant dense<0.000000e+00> : vector<1x384xf32>
    %dot_general3A_216 = tpu.matmul %convert_element_type3A_36, %slice3A_214, %dot_general3A_215 {dimension_numbers = #tpu.dot_dimension_numbers<[1], [0], [0], [1], [0, 0, 1, 1], [], []>, transpose_lhs_hint = false} : vector<1x384xbf16>, vector<384x384xbf16>, vector<1x384xf32> -> vector<1x384xf32>
    %reduce_max3A_217 = vector.shape_cast %dot_general3A_216 : vector<1x384xf32> to vector<1x1x384xf32>
    %reduce_max3A_218 = arith.constant dense<0xFF800000> : vector<1xf32>
    %reduce_max3A_219 = vector.multi_reduction <maximumf>, %reduce_max3A_217, %reduce_max3A_218 [1, 2] : vector<1x1x384xf32> to vector<1xf32>
    %reduce_max3A_220 = vector.shape_cast %reduce_max3A_219 : vector<1xf32> to vector<1x1x1xf32>
    %reduce_max3A_221 = vector.extract %reduce_max3A_220[0, 0, 0] : f32 from vector<1x1x1xf32>
    %eq3A_222 = arith.constant 0 : i32
    %eq3A_223 = vector.broadcast %eq3A_222 : i32 to vector<1x128xi32>
    %eq3A_224 = arith.cmpi eq, %iota3A, %eq3A_223 : vector<1x128xi32>
    %slice3A_225 = vector.extract_strided_slice %reduce_sum3A_27 {offsets = [6, 0], sizes = [1, 1], strides = [1, 1]} : vector<8x1xf32> to vector<1x1xf32>
    %squeeze3A_226 = vector.extract %slice3A_225[0, 0] : f32 from vector<1x1xf32>
    %eq3A_227 = arith.constant 1 : i32
    %eq3A_228 = vector.broadcast %eq3A_227 : i32 to vector<1x128xi32>
    %eq3A_229 = arith.cmpi eq, %iota3A, %eq3A_228 : vector<1x128xi32>
    %slice3A_230 = vector.extract_strided_slice %reduce_sum3A_32 {offsets = [6, 0], sizes = [1, 1], strides = [1, 1]} : vector<8x1xf32> to vector<1x1xf32>
    %squeeze3A_231 = vector.extract %slice3A_230[0, 0] : f32 from vector<1x1xf32>
    %broadcast_in_dim3A_232 = vector.broadcast %reduce_max3A_221 : f32 to vector<1x128xf32>
    %broadcast_in_dim3A_233 = vector.broadcast %squeeze3A_231 : f32 to vector<1x128xf32>
    %select_n3A_234 = arith.select %eq3A_229, %broadcast_in_dim3A_232, %broadcast_in_dim3A_233 : vector<1x128xi1>, vector<1x128xf32>
    %broadcast_in_dim3A_235 = vector.broadcast %squeeze3A_226 : f32 to vector<1x128xf32>
    %select_n3A_236 = arith.select %eq3A_224, %broadcast_in_dim3A_235, %select_n3A_234 : vector<1x128xi1>, vector<1x128xf32>
    %swap3A_237 = arith.constant 0 : index
    %swap3A_238 = arith.constant 6 : index
    %swap3A_239 = arith.constant 0 : index
    %swap3A_240 = arith.constant 0 : index
    %swap3A_241 = vector.load %arg4[%swap3A_237, %swap3A_238, %swap3A_239, %swap3A_240] : memref<1x8x1x128xf32, #tpu.memory_space<vmem>>, vector<1x1x1x128xf32>
    %swap3A_242 = vector.shape_cast %swap3A_241 : vector<1x1x1x128xf32> to vector<1x128xf32>
    %swap3A_243 = vector.shape_cast %select_n3A_236 : vector<1x128xf32> to vector<1x1x1x128xf32>
    tpu.vector_store %arg4[%swap3A_237, %swap3A_238, %swap3A_239, %swap3A_240], %swap3A_243 {strides = array<i32>} : memref<1x8x1x128xf32, #tpu.memory_space<vmem>>, vector<1x1x1x128xf32>,
    %slice3A_244 = vector.extract_strided_slice %convert_element_type3A_14 {offsets = [2688, 0], sizes = [384, 384], strides = [1, 1]} : vector<3072x384xbf16> to vector<384x384xbf16>
    %dot_general3A_245 = arith.constant dense<0.000000e+00> : vector<1x384xf32>
    %dot_general3A_246 = tpu.matmul %convert_element_type3A_36, %slice3A_244, %dot_general3A_245 {dimension_numbers = #tpu.dot_dimension_numbers<[1], [0], [0], [1], [0, 0, 1, 1], [], []>, transpose_lhs_hint = false} : vector<1x384xbf16>, vector<384x384xbf16>, vector<1x384xf32> -> vector<1x384xf32>
    %reduce_max3A_247 = vector.shape_cast %dot_general3A_246 : vector<1x384xf32> to vector<1x1x384xf32>
    %reduce_max3A_248 = arith.constant dense<0xFF800000> : vector<1xf32>
    %reduce_max3A_249 = vector.multi_reduction <maximumf>, %reduce_max3A_247, %reduce_max3A_248 [1, 2] : vector<1x1x384xf32> to vector<1xf32>
    %reduce_max3A_250 = vector.shape_cast %reduce_max3A_249 : vector<1xf32> to vector<1x1x1xf32>
    %reduce_max3A_251 = vector.extract %reduce_max3A_250[0, 0, 0] : f32 from vector<1x1x1xf32>
    %eq3A_252 = arith.constant 0 : i32
    %eq3A_253 = vector.broadcast %eq3A_252 : i32 to vector<1x128xi32>
    %eq3A_254 = arith.cmpi eq, %iota3A, %eq3A_253 : vector<1x128xi32>
    %slice3A_255 = vector.extract_strided_slice %reduce_sum3A_27 {offsets = [7, 0], sizes = [1, 1], strides = [1, 1]} : vector<8x1xf32> to vector<1x1xf32>
    %squeeze3A_256 = vector.extract %slice3A_255[0, 0] : f32 from vector<1x1xf32>
    %eq3A_257 = arith.constant 1 : i32
    %eq3A_258 = vector.broadcast %eq3A_257 : i32 to vector<1x128xi32>
    %eq3A_259 = arith.cmpi eq, %iota3A, %eq3A_258 : vector<1x128xi32>
    %slice3A_260 = vector.extract_strided_slice %reduce_sum3A_32 {offsets = [7, 0], sizes = [1, 1], strides = [1, 1]} : vector<8x1xf32> to vector<1x1xf32>
    %squeeze3A_261 = vector.extract %slice3A_260[0, 0] : f32 from vector<1x1xf32>
    %broadcast_in_dim3A_262 = vector.broadcast %reduce_max3A_251 : f32 to vector<1x128xf32>
    %broadcast_in_dim3A_263 = vector.broadcast %squeeze3A_261 : f32 to vector<1x128xf32>
    %select_n3A_264 = arith.select %eq3A_259, %broadcast_in_dim3A_262, %broadcast_in_dim3A_263 : vector<1x128xi1>, vector<1x128xf32>
    %broadcast_in_dim3A_265 = vector.broadcast %squeeze3A_256 : f32 to vector<1x128xf32>
    %select_n3A_266 = arith.select %eq3A_254, %broadcast_in_dim3A_265, %select_n3A_264 : vector<1x128xi1>, vector<1x128xf32>
    %swap3A_267 = arith.constant 0 : index
    %swap3A_268 = arith.constant 7 : index
    %swap3A_269 = arith.constant 0 : index
    %swap3A_270 = arith.constant 0 : index
    %swap3A_271 = vector.load %arg4[%swap3A_267, %swap3A_268, %swap3A_269, %swap3A_270] : memref<1x8x1x128xf32, #tpu.memory_space<vmem>>, vector<1x1x1x128xf32>
    %swap3A_272 = vector.shape_cast %swap3A_271 : vector<1x1x1x128xf32> to vector<1x128xf32>
    %swap3A_273 = vector.shape_cast %select_n3A_266 : vector<1x128xf32> to vector<1x1x1x128xf32>
    tpu.vector_store %arg4[%swap3A_267, %swap3A_268, %swap3A_269, %swap3A_270], %swap3A_273 {strides = array<i32>} : memref<1x8x1x128xf32, #tpu.memory_space<vmem>>, vector<1x1x1x128xf32>,
    return
  }
  func.func @transform_0(%arg0: i32, %arg1: i32) -> (i32, i32, i32) {
    %c0_i32 = arith.constant 0 : i32
    %c0_i32_0 = arith.constant 0 : i32
    %c0_i32_1 = arith.constant 0 : i32
    return %arg0, %c0_i32, %c0_i32_0 : i32, i32, i32
  }
  func.func @transform_1(%arg0: i32, %arg1: i32) -> (i32, i32, i32, i32) {
    %c0_i32 = arith.constant 0 : i32
    %c0_i32_0 = arith.constant 0 : i32
    %c0_i32_1 = arith.constant 0 : i32
    return %arg0, %arg1, %c0_i32, %c0_i32_0 : i32, i32, i32, i32
  }
  func.func @transform_2(%arg0: i32, %arg1: i32) -> (i32, i32, i32, i32) {
    %c0_i32 = arith.constant 0 : i32
    %c0_i32_0 = arith.constant 0 : i32
    %c0_i32_1 = arith.constant 0 : i32
    return %arg0, %arg1, %c0_i32, %c0_i32_0 : i32, i32, i32, i32
  }
}

</mosaic_0001>

<sc_bundles>
// kernel: kernel.4.cloned.1.call-start
scs
__scs_entry_jumppad:
0x0: {  	(pc) =	sbr.rel $0x88, $3  }
0x1: {  	(tag) =	ssettag $0x0;
	lr =	simm.s32 $0x1  }
0x2: {  	[smem:$0x3F9F] =	sst lr;
	_ =	strace $0xD0000000  }
0x3: {  	_ = 	snop  }
0x4: {  	_ = 	snop  }
0x5: {  	_ = 	snop  }
0x6: {  	_ = 	snop  }
0x7: {  	_ = 	snop  }
__scs_overlays_trampoline_lowered:
0x8: {  	[smem:$0x3FAE] =	sst s0  }
0x9: {  	[smem:$0x3FAF] =	sst s1  }
0xa: {  	[smem:$0x3FB0] =	sst s2  }
0xb: {  	[smem:$0x3FB1] =	sst s3  }
0xc: {  	[smem:$0x3FB2] =	sst s4  }
0xd: {  	[smem:$0x3FB3] =	sst s5  }
0xe: {  	[smem:$0x3FB4] =	sst s6  }
0xf: {  	[smem:$0x3FB5] =	sst s7  }
0x10: {  	[smem:$0x3FB6] =	sst s8  }
0x11: {  	[smem:$0x3FB7] =	sst s9;
	s0 =	simm.s32 @!p0 $0x0  }
0x12: {  	s1 =	sld [smem:$0x3F9D];
	s0 =	simm.s32 @p0 $0x1  }
0x13: {  	[smem:$0x3FB8] =	sst s0;
	s0 =	simm.s32 @!p1 $0x0  }
0x14: {  	s2 =	sld [smem:$0x3F9C];
	s0 =	simm.s32 @p1 $0x1  }
0x15: {  	[smem:$0x3FB9] =	sst s0;
	s0 =	simm.s32 @!p2 $0x0  }
0x16: {  	s3 =	sld [smem:$0x3FDB];
	s0 =	simm.s32 @p2 $0x1  }
0x17: {  	s4 =	simm.s32 $0x1BF5;
	[smem:$0x3FBB] =	sst s0  }
0x18: {  	s0 =	sld [smem:$0x3F9E];
	_ =	swait.ge [sflag:s4], $0x0  }
0x19: {  	s7 =	sld [smem:$0x3F9F]  }
0x1a: {  	s8 =	sadd.s32 $0xFFFFE003, lr  }
0x1b: {  	s9 =	sadd.s32 $0xFFFFFEF7, lr;
	s5 =	simm.s32 $0xFFFFFFFF;
	p2 =	slt.u32 s8, $0xFFFFF086  }
0x1c: {  	p1 =	slt.u32 s9, $0xF7A;
	s5 =	simm.s32 @!p2 $0x0  }
0x1d: {  	s5 =	simm.s32 @p1 $0x1;
	p0 =	seq.s32 s7, s2  }
0x1e: {  	s7 =	smul.u32 @!p0 $0xF7A, s2;
	p2 =	seq.s32 @!p0 s5, $0x0  }
0x1f: {  	s9 =	smul.u32 $0xF7A, s1;
	s8 =	simm.s32 @!p0 $0x1BF5;
	p2 =	por !p2, p0  }
0x20: {  	[sflag:s8] =	ssyncset.s32 @!p0 $0xFFFFF086;
	s6 =	sadd.s32 @!p0 s3, s7;
	s7 =	simm.s32 @!p0 $0x108  }
0x21: {  	s3 =	sadd.s32 s3, s9;
	s6 =	sadd.s32 @!p0 $0x88, s6;
	s7 =	simm.s32 @p2 $0x1082  }
0x22: {  	[simem:s7], [sflag:s8] =	dma.local @!p0 [hbm:s6], $0xF7A  }
0x23: {  	s9 =	sor.u32 $0xD0000000, s2;
	s6 =	simm.s32 $0x108;
	_ =	swait.ge @!p0 [sflag:s8], $0x0  }
0x24: {  	s3 =	sadd.s32 $0x88, s3;
	s6 =	simm.s32 @!p1 $0x1082;
	[sflag:s4] =	ssyncset.s32 $0xFFFFF086  }
0x25: {  	[simem:s6], [sflag:s4] =	dma.local [hbm:s3], $0xF7A  }
0x26: {  	[smem:$0x3F9F] =	sst s1;
	(tag) =	ssettag s2;
	_ =	strace s9  }
0x27: {  	s1 =	sld [smem:$0x3FAF]  }
0x28: {  	s2 =	sld [smem:$0x3FB0]  }
0x29: {  	s4 =	sld [smem:$0x3FB2]  }
0x2a: {  	p0 =	seq.s32 s5, $0x0;
	s5 =	sld [smem:$0x3FB3]  }
0x2b: {  	s6 =	sld [smem:$0x3FB4]  }
0x2c: {  	s7 =	sld [smem:$0x3FB5]  }
0x2d: {  	s3 =	simm.s32 $0x108;
	s8 =	sld [smem:$0x3FB6]  }
0x2e: {  	s3 =	simm.s32 @!p0 $0x1082;
	s9 =	sld [smem:$0x3FB7]  }
0x2f: {  	lr =	sadd.s32 s0, s3;
	s0 =	sld [smem:$0x3FAE]  }
0x30: {  	s3 =	sld [smem:$0x3FB1]  }
0x31: {  	[smem:$0x3FBA] =	sst s10  }
0x32: {  	s10 =	sld [smem:$0x3FB8];
	_ =	sdelay $0x3  }
0x33: {  	p0 =	seq.s32 s10, $0x1;
	s10 =	sld [smem:$0x3FBA];
	_ =	sdelay $0x3  }
0x34: {  	[smem:$0x3FBA] =	sst s10  }
0x35: {  	s10 =	sld [smem:$0x3FB9];
	_ =	sdelay $0x3  }
0x36: {  	p1 =	seq.s32 s10, $0x1;
	s10 =	sld [smem:$0x3FBA];
	_ =	sdelay $0x3  }
0x37: {  	[smem:$0x3FBA] =	sst s10  }
0x38: {  	s10 =	sld [smem:$0x3FBB]  }
0x39: {  	_ = 	snop;
	(pc) =	sbr.ind lr, $3  }
0x3a: {  	_ = 	snop  }
0x3b: {  	_ = 	snop  }
0x3c: {  	p2 =	seq.s32 s10, $0x1;
	s10 =	sld [smem:$0x3FBA]  }
0x3d: {  	_ =	shalt  }
0x3e: {  	_ =	shalt  }
0x3f: {  	_ =	shalt  }
0x40: {  	_ =	shalt  }
0x41: {  	_ =	shalt  }
0x42: {  	_ =	shalt  }
0x43: {  	_ =	shalt  }
0x44: {  	_ =	shalt  }
0x45: {  	_ =	shalt  }
0x46: {  	_ =	shalt  }
0x47: {  	_ =	shalt  }
0x48: {  	_ =	shalt  }
0x49: {  	_ =	shalt  }
0x4a: {  	_ =	shalt  }
0x4b: {  	_ =	shalt  }
0x4c: {  	_ =	shalt  }
0x4d: {  	_ =	shalt  }
0x4e: {  	_ =	shalt  }
0x4f: {  	_ =	shalt  }
0x50: {  	_ =	shalt  }
0x51: {  	_ =	shalt  }
0x52: {  	_ =	shalt  }
0x53: {  	_ =	shalt  }
0x54: {  	_ =	shalt  }
0x55: {  	_ =	shalt  }
0x56: {  	_ =	shalt  }
0x57: {  	_ =	shalt  }
0x58: {  	_ =	shalt  }
0x59: {  	_ =	shalt  }
0x5a: {  	_ =	shalt  }
0x5b: {  	_ =	shalt  }
0x5c: {  	_ =	shalt  }
0x5d: {  	_ =	shalt  }
0x5e: {  	_ =	shalt  }
0x5f: {  	_ =	shalt  }
0x60: {  	_ =	shalt  }
0x61: {  	_ =	shalt  }
0x62: {  	_ =	shalt  }
0x63: {  	_ =	shalt  }
0x64: {  	_ =	shalt  }
0x65: {  	_ =	shalt  }
0x66: {  	_ =	shalt  }
0x67: {  	_ =	shalt  }
0x68: {  	_ =	shalt  }
0x69: {  	_ =	shalt  }
0x6a: {  	_ =	shalt  }
0x6b: {  	_ =	shalt  }
0x6c: {  	_ =	shalt  }
0x6d: {  	_ =	shalt  }
0x6e: {  	_ =	shalt  }
0x6f: {  	_ =	shalt  }
0x70: {  	_ =	shalt  }
0x71: {  	_ =	shalt  }
0x72: {  	_ =	shalt  }
0x73: {  	_ =	shalt  }
0x74: {  	_ =	shalt  }
0x75: {  	_ =	shalt  }
0x76: {  	_ =	shalt  }
0x77: {  	_ =	shalt  }
0x78: {  	_ =	shalt  }
0x79: {  	_ =	shalt  }
0x7a: {  	_ =	shalt  }
0x7b: {  	_ =	shalt  }
0x7c: {  	_ =	shalt  }
0x7d: {  	_ =	shalt  }
0x7e: {  	_ =	shalt  }
0x7f: {  	_ =	shalt  }
0x80: {  	_ =	shalt  }
0x81: {  	_ =	shalt  }
0x82: {  	_ =	shalt  }
0x83: {  	_ =	shalt  }
0x84: {  	_ =	shalt  }
0x85: {  	_ =	shalt  }
0x86: {  	_ =	shalt  }
0x87: {  	_ =	shalt  }
.Lfunc_end0:
.L_simem_size_0:
called_computation_lowered:
.L_overlay_start_0:
0x88: {  	s2 =	sld [smem:$0x3FD9]  }
0x89: {  	s3 =	sld [smem:$0x3FFE];
	_ =	sdelay $0x1  }
0x8a: {  	s1 =	srdreg.scid  }
0x8b: {  	s0 =	sand.u32 $0x1, s1  }
0x8c: {  	s16 =	sshll.u32 s0, $0xA;
	s2 =	sadd.s32 s3, s2  }
0x8d: {  	s2 =	sadd.s32 s2, s16  }
0x8e: {  	[smem:$0x3FC6] =	sst s2  }
0x8f: {  	_ = 	snop  }
0x90: {  	(tm) =	ssettm $0x1  }
0x91: {  	s17 =	sld [smem:$0x3FFB];
	_ =	sdelay $0x3  }
0x92: {  	_ =	strace s17  }
0x93: {  	s2 =	sld [smem:$0x3FFC];
	_ =	sdelay $0x3  }
0x94: {  	_ =	strace s2  }
0x95: {  	s2 =	sld [smem:$0x3FFD];
	_ =	sdelay $0x3  }
0x96: {  	_ =	strace s2  }
0x97: {  	_ =	strace $0x8FFFFFFF  }
0x98: {  	s18 =	sld [smem:$0x3FDB];
	_ =	sdelay $0x1  }
0x99: {  	s19 =	simm.s32 $_scs_section_size  }
0x9a: {  	s4 =	simm.s32 $_size__tile_overlayer_lowered;
	s5 =	simm.s32 $_tile_overlayer_lowered  }
0x9b: {  	s22 =	simm.s32 $0x1BFF;
	s21 =	sshll.u32 s5, $0x1;
	s2 =	sadd.s32 s19, s18  }
0x9c: {  	s6 =	simm.s32 $0x0;
	s20 =	sshll.u32 s4, $0x1;
	s4 =	sadd.s32 s21, s2  }
0x9d: {  	[timem:s6], [sflag:s22] =	dma.local [hbm:s4], s20  }
0x9e: {  	_ =	swait.ge [sflag:s22], s20  }
0x9f: {  	s3 =	ssub.s32 $0x0, s20;
	[sflag:s22] =	ssyncset.done $0x0  }
0xa0: {  	[sflag:s22] =	ssyncadd.s32 s3;
	_ =	sdelay $0x1  }
0xa1: {  	s23 =	simm.s32 $0x1B8B  }
0xa2: {  	_ =	swait.ge [sflag:s23], $0x1  }
0xa3: {  	[sflag:s23] =	ssyncset.done $0x0  }
0xa4: {  	s25 =	simm.s32 $0x1B8E;
	s24 =	sld [smem:$0x3FFE];
	[sflag:s23] =	ssyncadd.s32 $0xFFFFFFFF  }
0xa5: {  	s26 =	simm.s32 $execute0_lowered;
	[smem:$0x3FD2] =	sst s25  }
0xa6: {  	s4 =	sshll.u32 s26, $0x1;
	_ =	strace $0x80000046;
	[dreg:$0x1] =	wrdreg $0xFFFFFFFF  }
0xa7: {  	s28 =	simm.s32 $_size_execute0_lowered;
	s2 =	sadd.s32 s2, s4;
	[dreg:$0x0] =	wrdreg $0x0  }
0xa8: {  	s4 =	sshll.u32 s28, $0x1;
	[dreg:$0x2] =	wrdreg s2  }
0xa9: {  	[dreg:$0x3] =	wrdreg s4  }
0xaa: {  	[dreg:$0x4] =	wrdreg $0xC0  }
0xab: {  	_ =	task [dreg:s6], $0x5FFFF  }
0xac: {  	[dreg:$0x1] =	wrdreg $0xFFFFFFFF  }
0xad: {  	[dreg:$0x0] =	wrdreg $0x60  }
0xae: {  	[dreg:$0x2] =	wrdreg s24  }
0xaf: {  	[dreg:$0x3] =	wrdreg $0x9  }
0xb0: {  	_ =	task.clear_ibuf [dreg:s6], $0x4FFFF;
	_ =	strace $0x90000046  }
0xb1: {  	s29 =	simm.s32 $0x9;
	_ =	strace $0x80000048  }
0xb2: {  	_ =	swait.ge [sflag:s29], $0x1  }
0xb3: {  	[sflag:s29] =	ssyncadd.s32 $0xFFFFFFFF  }
0xb4: {  	_ =	strace $0x90000048  }
0xb5: {  	_ =	sfence  }
0xb6: {  	s30 =	sld [smem:$0x0];
	_ =	sdelay $0x2  }
0xb7: {  	s31 =	sshll.u32 s1, $0xD;
	s1 =	sshrl.u32 s1, $0x2  }
0xb8: {  	s3 =	sand.u32 $0x4000, s31;
	s1 =	sadd.s32 s1, s30  }
0xb9: {  	s0 =	sor.u32 s3, s0;
	s1 =	sshll.u32 s1, $0x11  }
0xba: {  	s0 =	sor.u32 s1, s0  }
0xbb: {  	s0 =	sadd.s32 $0x8F2B, s0  }
0xbc: {  	[sflag:s0] =	ssyncadd.remote.s32 $0x1  }
0xbd: {  	_ =	sfence.sel $0xFFFF  }
0xbe: {  	[dreg:$0x0] =	wrdreg $0xFFFFFFFF;
	(pc) =	sbr.abs _section_cstart, $3  }
0xbf: {  	[dreg:$0x1] =	wrdreg $0xFFFFFFFF  }
0xc0: {  	_ =	task.clear_ibuf [dreg:s6], $0x2FFFF;
	_ =	strace $0x9FFFFFFF  }
0xc1: {  	(tm) =	ssettm $0x7FFFFFFF  }
tec
execute0_lowered:
.L_overlay_start_1:
0x0: {  	(tag) =	ssettag $0x1  }
0x1: {  	v1 =	vlaneseq.u32  }
0x2: {  	s1 =	srdreg.scid;
	s0 =	stileid.u32;
	v0 =	vmul.u32 $0x10, v1  }
0x3: {  	s4 =	rddreg [dreg:$0x0];
	s3 =	sand.u32 $0x1, s1;
	s30 =	sshll.u32 s0, $0x1;
	v1 =	vmul.u32 $0x480, v1  }
0x4: {  	s2 =	simm.s32 $0x0;
	s8 =	simm.s32 $0x0;
	s5 =	sor.u32 s3, s30;
	v2 =	vor.u32 $0x1, v0  }
0x5: {  	s1 =	rddreg [dreg:$0x1];
	s3 =	ssub.s32 $0x2, s3;
	s6 =	smul.u32 $0x3600, s5;
	v3 =	vadd.s32 $0x4800, v1;
	v4 =	vor.u32 $0x100, v0;
	v5 =	vor.u32 $0x101, v0  }
0x6: {  	[smem:$0x7FF] =	sst s2;
	s5 =	smul.u32 $0xC0, s5;
	s7 =	sshrl.u32 s3, $0x1;
	v6 =	vadd.s32 $0x9000, v1;
	v7 =	vor.u32 $0x200, v0;
	v8 =	vor.u32 $0x201, v0  }
0x7: {  	_ =	strace $0x80000047;
	v9 =	vadd.s32 $0xD800, v1;
	v10 =	vor.u32 $0x300, v0;
	v11 =	vor.u32 $0x301, v0;
	s31 =	ssub.s32 s3, s7;
	s7 =	simm.s32 $0x1  }
0x8: {  	v12 =	vadd.s32 $0x12000, v1;
	v14 =	vor.u32 $0x401, v0;
	v15 =	vadd.s32 $0x16800, v1;
	s6 =	sadd.s32 s6, s4;
	s4 =	sadd.s32 s5, s4;
	s5 =	smax.u32 s31, $0x1  }
0x9: {  	v13 =	vor.u32 $0x400, v0;
	v16 =	vor.u32 $0x500, v0;
	v17 =	vor.u32 $0x501, v0;
	s3 =	sadd.s32 $0x1200400, s6;
	s4 =	sadd.s32 $0x400, s4;
	s6 =	simm.s32 $0x1B000  }
.LBB2_1:
0xa: {  	v18 =	vadd.s32 s7, v1  }
0xb: {  	[tilespmem:s2], [sflag:$0x1] =	stream.linear.gather [hbm4b:s3+s2], $0x1B000, $0x38;
	[tilespmem:$0x1B600] =	vst v63  }
0xc: {  	_ =	swait.ge [sflag:s7], $0x1B000  }
0xd: {  	[sflag:s7] =	ssyncset.done $0x0  }
0xe: {  	s9 =	simm.s32 $0x4;
	[sflag:s7] =	ssyncadd.s32 $0xFFFE5000  }
0xf: {  	v20 =	vadd.s32 s9, v1;
	v21 =	vld.idx.msk [tilespmem:v18+s2+$0x0], $0xffff;
	_ =	sdelay $0x2  }
0x10: {  	s10 =	scvt.s32.f32 s2  }
0x11: {  	v19 =	vimm.f32 $-1.000000000e+00  }
0x12: {  	s9 =	simm.s32 $0x7;
	v18 =	vimm.f32 $3.840000000e+02;
	v20 =	vld.idx.msk [tilespmem:v20+s2+$0x0], $0xffff;
	vm0 =	vgt.f32 v21, $0.0e+00;
	v21 =	vmov s10;
	s10 =	simm.s32 $0x0  }
.LBB2_2:
0x13: {  	v22 =	vadd.s32 s9, v1;
	p0 =	sne.s32 s9, $0x47E;
	s9 =	sadd.s32 $0x3, s9;
	v23 =	vnsel vm0, $0x43C00000, v21;
	v21 =	vnsel vm0, $0xBF800000, v21  }
.Ltmp0:
0x14: {  	v18 =	vmin.f32 v18, v23;
	v19 =	vmax.f32 v19, v21;
	(pc) =	sbr.rel @p0 .LBB2_2-.Ltmp0, $3  }
0x15: {  	s10 =	sadd.s32 $0x1, s10  }
0x16: {  	s11 =	scvt.s32.f32 s10;
	_ =	sdelay $0x1  }
0x17: {  	v21 =	vmov s11;
	vm0 =	vgt.f32 v20, $0.0e+00;
	v20 =	vld.idx.msk [tilespmem:v22+s2+$0x0], $0xffff  }
0x18: {  	_ = 	snop  }
0x19: {  	s9 =	sadd.s32 $0x1, s10  }
0x1a: {  	s9 =	scvt.s32.f32 s9  }
0x1b: {  	v22 =	vnsel vm0, $0x43C00000, v21  }
0x1c: {  	v21 =	vnsel vm0, $0xBF800000, v21;
	vm0 =	vgt.f32 v20, $0.0e+00;
	v20 =	vmov s9  }
0x1d: {  	s30 =	simm.s32 $0x1;
	v18 =	vmin.f32 v18, v22;
	v19 =	vmax.f32 v19, v21;
	v21 =	vnsel vm0, $0xBF800000, v20  }
0x1e: {  	v20 =	vnsel vm0, $0x43C00000, v20;
	v19 =	vmax.f32 v19, v21;
	v21 =	vadd.s32 s30, v3  }
0x1f: {  	v18 =	vmin.f32 v18, v20;
	vm0 =	vgt.f32 v19, $-5.000000000e-01  }
0x20: {  	v18 =	vnsel vm0, $0x0, v18  }
0x21: {  	v19 =	vnsel vm0, $0x0, v19;
	[tilespmem:v0+s6+$0x0] =	vst.idx.msk $0xffff, v18  }
0x22: {  	s31 =	simm.s32 $0x4;
	[tilespmem:v2+s6+$0x0] =	vst.idx.msk $0xffff, v19  }
0x23: {  	v20 =	vadd.s32 s31, v3;
	v21 =	vld.idx.msk [tilespmem:v21+s2+$0x0], $0xffff;
	_ =	sdelay $0x1  }
0x24: {  	s9 =	simm.s32 $0x0  }
0x25: {  	s11 =	scvt.s32.f32 s9  }
0x26: {  	v18 =	vimm.f32 $3.840000000e+02  }
0x27: {  	s10 =	simm.s32 $0x7;
	v19 =	vimm.f32 $-1.000000000e+00;
	v20 =	vld.idx.msk [tilespmem:v20+s2+$0x0], $0xffff;
	vm0 =	vgt.f32 v21, $0.0e+00;
	v21 =	vmov s11  }
.LBB2_4:
0x28: {  	v22 =	vadd.s32 s10, v3;
	p0 =	sne.s32 s10, $0x47E;
	s10 =	sadd.s32 $0x3, s10;
	v23 =	vnsel vm0, $0x43C00000, v21;
	v21 =	vnsel vm0, $0xBF800000, v21  }
.Ltmp1:
0x29: {  	v18 =	vmin.f32 v18, v23;
	v19 =	vmax.f32 v19, v21;
	(pc) =	sbr.rel @p0 .LBB2_4-.Ltmp1, $3  }
0x2a: {  	s9 =	sadd.s32 $0x1, s9  }
0x2b: {  	s11 =	scvt.s32.f32 s9;
	_ =	sdelay $0x1  }
0x2c: {  	v21 =	vmov s11;
	vm0 =	vgt.f32 v20, $0.0e+00;
	v20 =	vld.idx.msk [tilespmem:v22+s2+$0x0], $0xffff  }
0x2d: {  	_ = 	snop  }
0x2e: {  	s9 =	sadd.s32 $0x1, s9  }
0x2f: {  	s9 =	scvt.s32.f32 s9  }
0x30: {  	v22 =	vnsel vm0, $0x43C00000, v21  }
0x31: {  	v21 =	vnsel vm0, $0xBF800000, v21;
	vm0 =	vgt.f32 v20, $0.0e+00;
	v20 =	vmov s9  }
0x32: {  	s30 =	simm.s32 $0x1;
	v18 =	vmin.f32 v18, v22;
	v19 =	vmax.f32 v19, v21;
	v21 =	vnsel vm0, $0xBF800000, v20  }
0x33: {  	v20 =	vnsel vm0, $0x43C00000, v20;
	v19 =	vmax.f32 v19, v21;
	v21 =	vadd.s32 s30, v6  }
0x34: {  	v18 =	vmin.f32 v18, v20;
	vm0 =	vgt.f32 v19, $-5.000000000e-01  }
0x35: {  	v18 =	vnsel vm0, $0x0, v18  }
0x36: {  	v19 =	vnsel vm0, $0x0, v19;
	[tilespmem:v4+s6+$0x0] =	vst.idx.msk $0xffff, v18  }
0x37: {  	s31 =	simm.s32 $0x4;
	[tilespmem:v5+s6+$0x0] =	vst.idx.msk $0xffff, v19  }
0x38: {  	v20 =	vadd.s32 s31, v6;
	v21 =	vld.idx.msk [tilespmem:v21+s2+$0x0], $0xffff;
	_ =	sdelay $0x1  }
0x39: {  	s9 =	simm.s32 $0x0  }
0x3a: {  	s11 =	scvt.s32.f32 s9  }
0x3b: {  	v18 =	vimm.f32 $3.840000000e+02  }
0x3c: {  	s10 =	simm.s32 $0x7;
	v19 =	vimm.f32 $-1.000000000e+00;
	v20 =	vld.idx.msk [tilespmem:v20+s2+$0x0], $0xffff;
	vm0 =	vgt.f32 v21, $0.0e+00;
	v21 =	vmov s11  }
.LBB2_6:
0x3d: {  	v22 =	vadd.s32 s10, v6;
	p0 =	sne.s32 s10, $0x47E;
	s10 =	sadd.s32 $0x3, s10;
	v23 =	vnsel vm0, $0x43C00000, v21;
	v21 =	vnsel vm0, $0xBF800000, v21  }
.Ltmp2:
0x3e: {  	v18 =	vmin.f32 v18, v23;
	v19 =	vmax.f32 v19, v21;
	(pc) =	sbr.rel @p0 .LBB2_6-.Ltmp2, $3  }
0x3f: {  	s9 =	sadd.s32 $0x1, s9  }
0x40: {  	s11 =	scvt.s32.f32 s9;
	_ =	sdelay $0x1  }
0x41: {  	v21 =	vmov s11;
	vm0 =	vgt.f32 v20, $0.0e+00;
	v20 =	vld.idx.msk [tilespmem:v22+s2+$0x0], $0xffff  }
0x42: {  	_ = 	snop  }
0x43: {  	s9 =	sadd.s32 $0x1, s9  }
0x44: {  	s9 =	scvt.s32.f32 s9  }
0x45: {  	v22 =	vnsel vm0, $0x43C00000, v21  }
0x46: {  	v21 =	vnsel vm0, $0xBF800000, v21;
	vm0 =	vgt.f32 v20, $0.0e+00;
	v20 =	vmov s9  }
0x47: {  	s30 =	simm.s32 $0x1;
	v18 =	vmin.f32 v18, v22;
	v19 =	vmax.f32 v19, v21;
	v21 =	vnsel vm0, $0xBF800000, v20  }
0x48: {  	v20 =	vnsel vm0, $0x43C00000, v20;
	v19 =	vmax.f32 v19, v21;
	v21 =	vadd.s32 s30, v9  }
0x49: {  	v18 =	vmin.f32 v18, v20;
	vm0 =	vgt.f32 v19, $-5.000000000e-01  }
0x4a: {  	v18 =	vnsel vm0, $0x0, v18  }
0x4b: {  	v19 =	vnsel vm0, $0x0, v19;
	[tilespmem:v7+s6+$0x0] =	vst.idx.msk $0xffff, v18  }
0x4c: {  	s31 =	simm.s32 $0x4;
	[tilespmem:v8+s6+$0x0] =	vst.idx.msk $0xffff, v19  }
0x4d: {  	v20 =	vadd.s32 s31, v9;
	v21 =	vld.idx.msk [tilespmem:v21+s2+$0x0], $0xffff;
	_ =	sdelay $0x1  }
0x4e: {  	s9 =	simm.s32 $0x0  }
0x4f: {  	s11 =	scvt.s32.f32 s9  }
0x50: {  	v18 =	vimm.f32 $3.840000000e+02  }
0x51: {  	s10 =	simm.s32 $0x7;
	v19 =	vimm.f32 $-1.000000000e+00;
	v20 =	vld.idx.msk [tilespmem:v20+s2+$0x0], $0xffff;
	vm0 =	vgt.f32 v21, $0.0e+00;
	v21 =	vmov s11  }
.LBB2_8:
0x52: {  	v22 =	vadd.s32 s10, v9;
	p0 =	sne.s32 s10, $0x47E;
	s10 =	sadd.s32 $0x3, s10;
	v23 =	vnsel vm0, $0x43C00000, v21;
	v21 =	vnsel vm0, $0xBF800000, v21  }
.Ltmp3:
0x53: {  	v18 =	vmin.f32 v18, v23;
	v19 =	vmax.f32 v19, v21;
	(pc) =	sbr.rel @p0 .LBB2_8-.Ltmp3, $3  }
0x54: {  	s9 =	sadd.s32 $0x1, s9  }
0x55: {  	s11 =	scvt.s32.f32 s9;
	_ =	sdelay $0x1  }
0x56: {  	v21 =	vmov s11;
	vm0 =	vgt.f32 v20, $0.0e+00;
	v20 =	vld.idx.msk [tilespmem:v22+s2+$0x0], $0xffff  }
0x57: {  	_ = 	snop  }
0x58: {  	s9 =	sadd.s32 $0x1, s9  }
0x59: {  	s9 =	scvt.s32.f32 s9  }
0x5a: {  	v22 =	vnsel vm0, $0x43C00000, v21  }
0x5b: {  	v21 =	vnsel vm0, $0xBF800000, v21;
	vm0 =	vgt.f32 v20, $0.0e+00;
	v20 =	vmov s9  }
0x5c: {  	s30 =	simm.s32 $0x1;
	v18 =	vmin.f32 v18, v22;
	v19 =	vmax.f32 v19, v21;
	v21 =	vnsel vm0, $0xBF800000, v20  }
0x5d: {  	v20 =	vnsel vm0, $0x43C00000, v20;
	v19 =	vmax.f32 v19, v21;
	v21 =	vadd.s32 s30, v12  }
0x5e: {  	v18 =	vmin.f32 v18, v20;
	vm0 =	vgt.f32 v19, $-5.000000000e-01  }
0x5f: {  	v18 =	vnsel vm0, $0x0, v18  }
0x60: {  	v19 =	vnsel vm0, $0x0, v19;
	[tilespmem:v10+s6+$0x0] =	vst.idx.msk $0xffff, v18  }
0x61: {  	s31 =	simm.s32 $0x4;
	[tilespmem:v11+s6+$0x0] =	vst.idx.msk $0xffff, v19  }
0x62: {  	v20 =	vadd.s32 s31, v12;
	v21 =	vld.idx.msk [tilespmem:v21+s2+$0x0], $0xffff;
	_ =	sdelay $0x1  }
0x63: {  	s9 =	simm.s32 $0x0  }
0x64: {  	s11 =	scvt.s32.f32 s9  }
0x65: {  	v18 =	vimm.f32 $3.840000000e+02  }
0x66: {  	s10 =	simm.s32 $0x7;
	v19 =	vimm.f32 $-1.000000000e+00;
	v20 =	vld.idx.msk [tilespmem:v20+s2+$0x0], $0xffff;
	vm0 =	vgt.f32 v21, $0.0e+00;
	v21 =	vmov s11  }
.LBB2_10:
0x67: {  	v22 =	vadd.s32 s10, v12;
	p0 =	sne.s32 s10, $0x47E;
	s10 =	sadd.s32 $0x3, s10;
	v23 =	vnsel vm0, $0x43C00000, v21;
	v21 =	vnsel vm0, $0xBF800000, v21  }
.Ltmp4:
0x68: {  	v18 =	vmin.f32 v18, v23;
	v19 =	vmax.f32 v19, v21;
	(pc) =	sbr.rel @p0 .LBB2_10-.Ltmp4, $3  }
0x69: {  	s9 =	sadd.s32 $0x1, s9  }
0x6a: {  	s11 =	scvt.s32.f32 s9;
	_ =	sdelay $0x1  }
0x6b: {  	v21 =	vmov s11;
	vm0 =	vgt.f32 v20, $0.0e+00;
	v20 =	vld.idx.msk [tilespmem:v22+s2+$0x0], $0xffff  }
0x6c: {  	_ = 	snop  }
0x6d: {  	s9 =	sadd.s32 $0x1, s9  }
0x6e: {  	s9 =	scvt.s32.f32 s9  }
0x6f: {  	v22 =	vnsel vm0, $0x43C00000, v21  }
0x70: {  	v21 =	vnsel vm0, $0xBF800000, v21;
	vm0 =	vgt.f32 v20, $0.0e+00;
	v20 =	vmov s9  }
0x71: {  	s30 =	simm.s32 $0x1;
	v18 =	vmin.f32 v18, v22;
	v19 =	vmax.f32 v19, v21;
	v21 =	vnsel vm0, $0xBF800000, v20  }
0x72: {  	v20 =	vnsel vm0, $0x43C00000, v20;
	v19 =	vmax.f32 v19, v21;
	v21 =	vadd.s32 s30, v15  }
0x73: {  	v18 =	vmin.f32 v18, v20;
	vm0 =	vgt.f32 v19, $-5.000000000e-01  }
0x74: {  	v18 =	vnsel vm0, $0x0, v18  }
0x75: {  	v19 =	vnsel vm0, $0x0, v19;
	[tilespmem:v13+s6+$0x0] =	vst.idx.msk $0xffff, v18  }
0x76: {  	s31 =	simm.s32 $0x4;
	[tilespmem:v14+s6+$0x0] =	vst.idx.msk $0xffff, v19  }
0x77: {  	v20 =	vadd.s32 s31, v15;
	v21 =	vld.idx.msk [tilespmem:v21+s2+$0x0], $0xffff;
	_ =	sdelay $0x1  }
0x78: {  	s9 =	simm.s32 $0x0  }
0x79: {  	s11 =	scvt.s32.f32 s9  }
0x7a: {  	v18 =	vimm.f32 $3.840000000e+02  }
0x7b: {  	s10 =	simm.s32 $0x7;
	v19 =	vimm.f32 $-1.000000000e+00;
	v20 =	vld.idx.msk [tilespmem:v20+s2+$0x0], $0xffff;
	vm0 =	vgt.f32 v21, $0.0e+00;
	v21 =	vmov s11  }
.LBB2_12:
0x7c: {  	v22 =	vadd.s32 s10, v15;
	p0 =	sne.s32 s10, $0x47E;
	s10 =	sadd.s32 $0x3, s10;
	v23 =	vnsel vm0, $0x43C00000, v21;
	v21 =	vnsel vm0, $0xBF800000, v21  }
.Ltmp5:
0x7d: {  	v18 =	vmin.f32 v18, v23;
	v19 =	vmax.f32 v19, v21;
	(pc) =	sbr.rel @p0 .LBB2_12-.Ltmp5, $3  }
0x7e: {  	s9 =	sadd.s32 $0x1, s9  }
0x7f: {  	s11 =	scvt.s32.f32 s9;
	_ =	sdelay $0x1  }
0x80: {  	v21 =	vmov s11;
	vm0 =	vgt.f32 v20, $0.0e+00;
	v20 =	vld.idx.msk [tilespmem:v22+s2+$0x0], $0xffff  }
0x81: {  	_ = 	snop  }
0x82: {  	s9 =	sadd.s32 $0x1, s9  }
0x83: {  	s9 =	scvt.s32.f32 s9;
	_ =	sdelay $0x1  }
0x84: {  	v22 =	vnsel vm0, $0xBF800000, v21;
	v61 =	vmov s9;
	vm1 =	vgt.f32 v20, $0.0e+00  }
0x85: {  	v62 =	vnsel vm0, $0x43C00000, v21;
	v19 =	vmax.f32 v19, v22;
	v63 =	vnsel vm1, $0xBF800000, v61  }
0x86: {  	v18 =	vmin.f32 v18, v62;
	v20 =	vnsel vm1, $0x43C00000, v61;
	v19 =	vmax.f32 v19, v63  }
0x87: {  	v18 =	vmin.f32 v18, v20;
	vm15 =	vgt.f32 v19, $-5.000000000e-01  }
0x88: {  	s8 =	sadd.s32 $0x1, s8;
	v18 =	vnsel vm15, $0x0, v18  }
0x89: {  	p0 =	sne.s32 s8, s5;
	v19 =	vnsel vm15, $0x0, v19;
	[tilespmem:v16+s6+$0x0] =	vst.idx.msk $0xffff, v18  }
.Ltmp6:
0x8a: {  	[tilespmem:v17+s6+$0x0] =	vst.idx.msk $0xffff, v19;
	(pc) =	sbr.rel @p0 .LBB2_1-.Ltmp6, $4  }
0x8b: {  	[hbm4b:s4+s2] =	stream.linear.scatter [tilespmem:s6], [sflag:$0x1], $0x600, $0x38;
	[tilespmem:$0x1B600] =	vst v63  }
0x8c: {  	_ =	swait.ge [sflag:s7], $0x600  }
0x8d: {  	[sflag:s7] =	ssyncset.done $0x0  }
0x8e: {  	[sflag:s7] =	ssyncadd.s32 $0xFFFFFA00  }
0x8f: {  	_ =	sfence.sel $0x180000  }
0x90: {  	[bflag:$0x0] =	sbarrier.arrive $0xFFFF  }
0x91: {  	p0 =	sne.s32 s0, $0x0;
	_ =	strace $0x90000047  }
0x92: {  	s0 =	sadd.s32 @!p0 $0x100000, s1;
	[bflag:$0x2] =	sbarrier.arrive $0xFFFF  }
0x93: {  	[sflag:s0] =	ssyncadd.tile.s32 @!p0 $0x1;
	_ =	shalt  }
.Lfunc_end2:
_tile_overlayer_lowered:
.L_overlay_start_2:
0x94: {  	(tag) =	ssettag $0x2  }
0x95: {  	s0 =	rddreg [dreg:$0x0];
	s2 =	stileid.u32  }
0x96: {  	s1 =	rddreg [dreg:$0x1];
	p0 =	sne.s32 s2, $0x0  }
0x97: {  	s3 =	rddreg [dreg:$0x2];
	[bflag:$0x3] =	sbarrier.arrive $0xFFFF;
	s2 =	simm.s32 @!p0 $0x1C01  }
0x98: {  	[timem:s3], [sflag:s2] =	dma.local @!p0 [hbm:s0], s1  }
0x99: {  	s0 =	simm.s32 @!p0 $0x1  }
0x9a: {  	_ =	swait.ge @!p0 [sflag:s0], s1  }
0x9b: {  	s1 =	ssub.s32 @!p0 $0x0, s1;
	[sflag:s0] =	ssyncset.done @!p0 $0x0  }
0x9c: {  	[sflag:s0] =	ssyncadd.s32 @!p0 s1  }
0x9d: {  	[bflag:$0x3] =	sbarrier.arrive $0xFFFF  }
0x9e: {  	_ =	shalt  }

</sc_bundles>
